<compile_context>
chip_gen: v7x
topology: tpu7x:2x2x1
jax: 0.10.2.dev20260603
libtpu: 0.0.44.dev20260713+nightly
codegen_flags: <defaults>
</compile_context>

<pallas_src>
import functools

import jax
import jax.numpy as jnp
from jax import lax
from jax.experimental import pallas as pl
from jax.experimental.pallas import tpu as pltpu
from jax.experimental.pallas import tpu_sc as plsc

RANK = 128
D_MODEL = 1024
G = 128


def _sc_gather(table, idx3d, n_rows):
    info = plsc.get_sparse_core_info()
    nw = info.num_cores * info.num_subcores
    per_w = n_rows // nw
    n_g = per_w // G
    mesh = plsc.VectorSubcoreMesh(core_axis_name="c", subcore_axis_name="s")

    @functools.partial(
        pl.kernel,
        mesh=mesh,
        out_type=jax.ShapeDtypeStruct((n_rows, RANK), jnp.float32),
        scratch_types=[
            pltpu.VMEM((n_g, G), jnp.int32),
            pltpu.VMEM((G, RANK), jnp.float32),
            pltpu.SemaphoreType.DMA,
        ],
    )
    def k(table_hbm, idx_hbm, out_hbm, idx_v, rows_v, sem):
        wid = lax.axis_index("s") * info.num_cores + lax.axis_index("c")
        pltpu.sync_copy(idx_hbm.at[wid], idx_v)
        row_base = wid * per_w

        def body(j, carry):
            pltpu.async_copy(table_hbm.at[idx_v.at[j]], rows_v, sem).wait()
            pltpu.sync_copy(rows_v, out_hbm.at[pl.ds(row_base + j * G, G)])
            return carry

        lax.fori_loop(0, n_g, body, 0)

    return k(table, idx3d)


def _tc_project(emb, proj, b, l):
    bb = 32
    la = l - 2
    n_steps = b // bb

    def body(e_ref, p_ref, o_hbm, om, ot, sem_m, sem_t):
        step = pl.program_id(0)
        slot = lax.rem(step, 2)

        def wait_slot(s):
            pltpu.make_async_copy(
                om.at[s], o_hbm.at[pl.ds(0, bb), pl.ds(0, la), :],
                sem_m.at[s]).wait()
            pltpu.make_async_copy(
                ot.at[s], o_hbm.at[pl.ds(0, bb), pl.ds(la, 2), :],
                sem_t.at[s]).wait()

        @pl.when(step >= 2)
        def _():
            wait_slot(slot)

        p = p_ref[...]
        e = e_ref[...].astype(jnp.bfloat16)
        for i in range(bb):
            r = jnp.dot(e[i * l:(i + 1) * l, :], p,
                        preferred_element_type=jnp.float32)
            om[slot, i] = r[:la]
            ot[slot, i] = r[la:]

        dst = o_hbm.at[pl.ds(step * bb, bb)]
        for i in range(bb):
            pltpu.make_async_copy(
                om.at[slot, pl.ds(i, 1)],
                o_hbm.at[pl.ds(step * bb + i, 1), pl.ds(0, la), :],
                sem_m.at[slot]).start()
        pltpu.make_async_copy(
            ot.at[slot], dst.at[:, pl.ds(la, 2), :], sem_t.at[slot]).start()

        @pl.when(step == n_steps - 1)
        def _():
            wait_slot(slot)
            wait_slot(1 - slot)

    return pl.pallas_call(
        body,
        grid=(n_steps,),
        in_specs=[
            pl.BlockSpec((bb * l, RANK), lambda i: (i, 0)),
            pl.BlockSpec((RANK, D_MODEL), lambda i: (0, 0)),
        ],
        out_specs=pl.BlockSpec(memory_space=pltpu.HBM),
        out_shape=jax.ShapeDtypeStruct((b, l, D_MODEL), jnp.float32),
        scratch_shapes=[
            pltpu.VMEM((2, bb, la, D_MODEL), jnp.float32),
            pltpu.VMEM((2, bb, 2, D_MODEL), jnp.float32),
            pltpu.SemaphoreType.DMA((2,)),
            pltpu.SemaphoreType.DMA((2,)),
        ],
    )(emb, proj)


def kernel(x, embed_low, project_up):
    b, l = x.shape
    n_rows = b * l
    idx3d = x.reshape(32, n_rows // (32 * G), G).astype(jnp.int32)
    emb = _sc_gather(embed_low, idx3d, n_rows)
    return _tc_project(emb, project_up.astype(jnp.bfloat16), b, l)

# --- scband reference (transcript-rebuilt; emitter-appended) ---
"""Pipeline reference for scband-low-rank-embedding-43817256354367 (READ-ONLY COPY).

The authoritative reference and input builder live on the scoring server;
editing this copy changes nothing except your own understanding.
"""

import jax, jax.numpy as jnp
import numpy as np

VOCAB = 1000000
D_MODEL = 1024
RANK = max(64, int(D_MODEL * 0.125))  # 128

def setup_inputs(seed: int = 0) -> dict:
    key = jax.random.key(seed)
    k1, k2, k3 = jax.random.split(key, 3)
    x = jax.random.randint(k1, (4096, 50), 0, VOCAB, dtype=jnp.int64 if jax.config.jax_enable_x64 else jnp.int32)
    # embedding table (nn.Embedding default init: N(0,1))
    embed_low = jax.random.normal(k2, (VOCAB, RANK), dtype=jnp.float32)
    # nn.Linear(rank, d_model, bias=False) weight: [d_model, rank], kaiming-uniform-ish; use scaled uniform
    bound = 1.0 / np.sqrt(RANK)
    project_up = jax.random.uniform(k3, (RANK, D_MODEL), dtype=jnp.float32, minval=-bound, maxval=bound)
    return {"x": x, "embed_low": embed_low, "project_up": project_up}

def reference(x, embed_low, project_up):
    # embedding lookup (gather) then low-rank up-projection
    emb = jnp.take(embed_low, x, axis=0)          # [B, L, rank]
    out = emb @ project_up                         # [B, L, d_model]
    return out

if __name__ == "__main__":
    import jax
    _d = setup_inputs()
    print(jax.jit(kernel)(*tuple(_d.values())))

</pallas_src>

<mosaic_0001>
#map = affine_map<(d0, d1) -> (0, 0)>
#map1 = affine_map<(d0, d1) -> (0, 0, 0)>
module attributes {stable_mosaic.version = 14 : i64} {
  func.func @k(%arg0: i32, %arg1: i32, %arg2: memref<1000000x128xf32, #tpu.memory_space<hbm>>, %arg3: memref<32x50x128xi32, #tpu.memory_space<hbm>>, %arg4: memref<204800x128xf32, #tpu.memory_space<hbm>>, %arg5: memref<50x128xi32, #tpu.memory_space<vmem>>, %arg6: memref<128x128xf32, #tpu.memory_space<vmem>>, %arg7: memref<!tpu.dma_semaphore, #tpu.memory_space<semaphore_mem>>) attributes {dimension_semantics = [#tpu.dimension_semantics<core_parallel>, #tpu.dimension_semantics<subcore_parallel>], iteration_bounds = array<i64: 2, 16>, scalar_prefetch = 0 : i64, scratch_operands = 3 : i64, tpu.core_type = #tpu.core_type<sc_vector_subcore>, window_params = [{transform_indices = #map}, {transform_indices = #map1}, {transform_indices = #map}]} {
    %mul3A = arith.constant 2 : i32
    %mul3A_0 = arith.muli %arg1, %mul3A : i32
    %add3A = arith.addi %mul3A_0, %arg0 : i32
    "tpu.region"() ({
      %run_scoped3A = tpu.sem_alloc : memref<!tpu.dma_semaphore, #tpu.memory_space<semaphore_mem>>
      %dma_start3A = arith.constant 0 : i32
      %dma_start3A_8 = arith.constant 0 : i32
      %dma_start3A_9 = tpu.memref_slice %arg3[%add3A, %dma_start3A, %dma_start3A_8] : memref<32x50x128xi32, #tpu.memory_space<hbm>> -> memref<1x50x128xi32, #tpu.memory_space<hbm>>
      %dma_start3A_10 = tpu.memref_squeeze %dma_start3A_9 : memref<1x50x128xi32, #tpu.memory_space<hbm>> -> memref<50x128xi32, #tpu.memory_space<hbm>>
      %dma_start3A_11 = arith.constant 0 : i32
      %dma_start3A_12 = arith.constant 0 : i32
      %dma_start3A_13 = tpu.memref_slice %arg3[%add3A, %dma_start3A_11, %dma_start3A_12] : memref<32x50x128xi32, #tpu.memory_space<hbm>> -> memref<1x50x128xi32, #tpu.memory_space<hbm>>
      %dma_start3A_14 = tpu.memref_squeeze %dma_start3A_13 : memref<1x50x128xi32, #tpu.memory_space<hbm>> -> memref<50x128xi32, #tpu.memory_space<hbm>>
      tpu.enqueue_dma source(%dma_start3A_14 : memref<50x128xi32, #tpu.memory_space<hbm>>) target(%arg5 : memref<50x128xi32, #tpu.memory_space<vmem>>) target_semaphore(%run_scoped3A : memref<!tpu.dma_semaphore, #tpu.memory_space<semaphore_mem>>)
      %dma_wait3A = arith.constant 0 : i32
      %dma_wait3A_15 = arith.constant 0 : i32
      %dma_wait3A_16 = tpu.memref_slice %arg3[%add3A, %dma_wait3A, %dma_wait3A_15] : memref<32x50x128xi32, #tpu.memory_space<hbm>> -> memref<1x50x128xi32, #tpu.memory_space<hbm>>
      %dma_wait3A_17 = tpu.memref_squeeze %dma_wait3A_16 : memref<1x50x128xi32, #tpu.memory_space<hbm>> -> memref<50x128xi32, #tpu.memory_space<hbm>>
      %dma_wait3A_18 = arith.constant 0 : i32
      %dma_wait3A_19 = arith.constant 0 : i32
      %dma_wait3A_20 = tpu.memref_slice %arg3[%add3A, %dma_wait3A_18, %dma_wait3A_19] : memref<32x50x128xi32, #tpu.memory_space<hbm>> -> memref<1x50x128xi32, #tpu.memory_space<hbm>>
      %dma_wait3A_21 = tpu.memref_squeeze %dma_wait3A_20 : memref<1x50x128xi32, #tpu.memory_space<hbm>> -> memref<50x128xi32, #tpu.memory_space<hbm>>
      tpu.wait_dma2 semaphore(%run_scoped3A : memref<!tpu.dma_semaphore, #tpu.memory_space<semaphore_mem>>) src(%dma_wait3A_21 : memref<50x128xi32, #tpu.memory_space<hbm>>) dst(%arg5 : memref<50x128xi32, #tpu.memory_space<vmem>>)
      tpu.yield
    }) : () -> ()
    %mul3A_1 = arith.constant 6400 : i32
    %mul3A_2 = arith.muli %add3A, %mul3A_1 : i32
    %scan3A = arith.constant 0 : i32
    %scan3A_3 = arith.constant 0 : i32
    %scan3A_4 = arith.constant 50 : i32
    %scan3A_5 = arith.addi %scan3A_3, %scan3A_4 : i32
    %scan3A_6 = arith.constant 1 : i32
    scf.for %scan3A_8 = %scan3A_3 to %scan3A_5 step %scan3A_6  : i32 {
      %dma_start3A = arith.constant 0 : i32
      %dma_start3A_9 = tpu.memref_slice %arg5[%scan3A_8, %dma_start3A] : memref<50x128xi32, #tpu.memory_space<vmem>> -> memref<1x128xi32, #tpu.memory_space<vmem>>
      %dma_start3A_10 = tpu.memref_squeeze %dma_start3A_9 : memref<1x128xi32, #tpu.memory_space<vmem>> -> memref<128xi32, #tpu.memory_space<vmem>>
      %dma_start3A_11 = arith.constant 0 : i32
      %dma_start3A_12 = arith.constant 0 : i32
      %dma_start3A_13 = tpu.memref_slice %arg2[%dma_start3A_11, %dma_start3A_12] : memref<1000000x128xf32, #tpu.memory_space<hbm>> -> memref<1000000x128xf32, #tpu.memory_space<hbm>>
      tpu.enqueue_indirect_dma source(%dma_start3A_13 : memref<1000000x128xf32, #tpu.memory_space<hbm>>) target(%arg6 : memref<128x128xf32, #tpu.memory_space<vmem>>) offsets(%dma_start3A_10 : memref<128xi32, #tpu.memory_space<vmem>>) semaphore(%arg7 : memref<!tpu.dma_semaphore, #tpu.memory_space<semaphore_mem>>)
      %dma_wait3A = arith.constant 0 : i32
      %dma_wait3A_14 = tpu.memref_slice %arg5[%scan3A_8, %dma_wait3A] : memref<50x128xi32, #tpu.memory_space<vmem>> -> memref<1x128xi32, #tpu.memory_space<vmem>>
      %dma_wait3A_15 = tpu.memref_squeeze %dma_wait3A_14 : memref<1x128xi32, #tpu.memory_space<vmem>> -> memref<128xi32, #tpu.memory_space<vmem>>
      %dma_wait3A_16 = arith.constant 0 : i32
      %dma_wait3A_17 = arith.constant 0 : i32
      %dma_wait3A_18 = tpu.memref_slice %arg2[%dma_wait3A_16, %dma_wait3A_17] : memref<1000000x128xf32, #tpu.memory_space<hbm>> -> memref<1000000x128xf32, #tpu.memory_space<hbm>>
      tpu.wait_indirect_dma semaphore(%arg7 : memref<!tpu.dma_semaphore, #tpu.memory_space<semaphore_mem>>) src(%dma_wait3A_18 : memref<1000000x128xf32, #tpu.memory_space<hbm>>) dst(%arg6 : memref<128x128xf32, #tpu.memory_space<vmem>>)
      %mul3A_19 = arith.constant 128 : i32
      %mul3A_20 = arith.muli %scan3A_8, %mul3A_19 : i32
      %add3A_21 = arith.addi %mul3A_2, %mul3A_20 : i32
      "tpu.region"() ({
        %run_scoped3A = tpu.sem_alloc : memref<!tpu.dma_semaphore, #tpu.memory_space<semaphore_mem>>
        %dma_start3A_22 = arith.constant 0 : i32
        %dma_start3A_23 = tpu.memref_slice %arg4[%add3A_21, %dma_start3A_22] : memref<204800x128xf32, #tpu.memory_space<hbm>> -> memref<128x128xf32, #tpu.memory_space<hbm>>
        %dma_start3A_24 = arith.constant 0 : i32
        %dma_start3A_25 = tpu.memref_slice %arg4[%add3A_21, %dma_start3A_24] : memref<204800x128xf32, #tpu.memory_space<hbm>> -> memref<128x128xf32, #tpu.memory_space<hbm>>
        tpu.enqueue_dma source(%arg6 : memref<128x128xf32, #tpu.memory_space<vmem>>) target(%dma_start3A_25 : memref<128x128xf32, #tpu.memory_space<hbm>>) target_semaphore(%run_scoped3A : memref<!tpu.dma_semaphore, #tpu.memory_space<semaphore_mem>>)
        %dma_wait3A_26 = arith.constant 0 : i32
        %dma_wait3A_27 = tpu.memref_slice %arg4[%add3A_21, %dma_wait3A_26] : memref<204800x128xf32, #tpu.memory_space<hbm>> -> memref<128x128xf32, #tpu.memory_space<hbm>>
        %dma_wait3A_28 = arith.constant 0 : i32
        %dma_wait3A_29 = tpu.memref_slice %arg4[%add3A_21, %dma_wait3A_28] : memref<204800x128xf32, #tpu.memory_space<hbm>> -> memref<128x128xf32, #tpu.memory_space<hbm>>
        tpu.wait_dma2 semaphore(%run_scoped3A : memref<!tpu.dma_semaphore, #tpu.memory_space<semaphore_mem>>) src(%arg6 : memref<128x128xf32, #tpu.memory_space<vmem>>) dst(%dma_wait3A_29 : memref<128x128xf32, #tpu.memory_space<hbm>>)
        tpu.yield
      }) : () -> ()
    }
    %scan3A_7 = arith.constant 50 : i32
    return
  }
}

module attributes {stable_mosaic.version = 14 : i64} {
  func.func @body(%arg0: i32, %arg1: memref<1600x128xf32, #tpu.memory_space<vmem>>, %arg2: memref<128x1024xbf16, #tpu.memory_space<vmem>>, %arg3: memref<4096x50x1024xf32, #tpu.memory_space<hbm>>, %arg4: memref<2x32x48x1024xf32, #tpu.memory_space<vmem>>, %arg5: memref<2x32x2x1024xf32, #tpu.memory_space<vmem>>, %arg6: memref<2x!tpu.dma_semaphore, #tpu.memory_space<semaphore_mem>>, %arg7: memref<2x!tpu.dma_semaphore, #tpu.memory_space<semaphore_mem>>) attributes {dimension_semantics = [#tpu.dimension_semantics<arbitrary>], iteration_bounds = array<i64: 128>, scalar_prefetch = 0 : i64, scratch_operands = 4 : i64, tpu.core_type = #tpu.core_type<tc>, window_params = [{transform_indices = @transform_0, window_bounds = array<i64: 1600, 128>}, {pipeline_mode = #tpu.pipeline_mode<synchronous>, transform_indices = @transform_1, window_bounds = array<i64: 128, 1024>}, {}]} {
    %rem3A = arith.constant 2 : i32
    %rem3A_0 = arith.remsi %arg0, %rem3A : i32
    %ge3A = arith.constant 2 : i32
    %ge3A_1 = arith.cmpi sge, %arg0, %ge3A : i32
    %convert_element_type3A = arith.extui %ge3A_1 : i1 to i32
    %cond3A = arith.constant 0 : i32
    %cond3A_2 = arith.cmpi ne, %convert_element_type3A, %cond3A : i32
    scf.if %cond3A_2 {
      %dma_wait3A = tpu.memref_slice %arg6[%rem3A_0] : memref<2x!tpu.dma_semaphore, #tpu.memory_space<semaphore_mem>> -> memref<1x!tpu.dma_semaphore, #tpu.memory_space<semaphore_mem>>
      %dma_wait3A_1079 = tpu.memref_squeeze %dma_wait3A : memref<1x!tpu.dma_semaphore, #tpu.memory_space<semaphore_mem>> -> memref<!tpu.dma_semaphore, #tpu.memory_space<semaphore_mem>>
      %dma_wait3A_1080 = arith.constant 0 : i32
      %dma_wait3A_1081 = arith.constant 0 : i32
      %dma_wait3A_1082 = arith.constant 0 : i32
      %dma_wait3A_1083 = tpu.memref_slice %arg3[%dma_wait3A_1080, %dma_wait3A_1081, %dma_wait3A_1082] : memref<4096x50x1024xf32, #tpu.memory_space<hbm>> -> memref<32x48x1024xf32, #tpu.memory_space<hbm>>
      %dma_wait3A_1084 = arith.constant 0 : i32
      %dma_wait3A_1085 = arith.constant 0 : i32
      %dma_wait3A_1086 = arith.constant 0 : i32
      %dma_wait3A_1087 = tpu.memref_slice %arg4[%rem3A_0, %dma_wait3A_1084, %dma_wait3A_1085, %dma_wait3A_1086] : memref<2x32x48x1024xf32, #tpu.memory_space<vmem>> -> memref<1x32x48x1024xf32, #tpu.memory_space<vmem>>
      %dma_wait3A_1088 = tpu.memref_squeeze %dma_wait3A_1087 : memref<1x32x48x1024xf32, #tpu.memory_space<vmem>> -> memref<32x48x1024xf32, #tpu.memory_space<vmem>>
      tpu.wait_dma2 semaphore(%dma_wait3A_1079 : memref<!tpu.dma_semaphore, #tpu.memory_space<semaphore_mem>>) src(%dma_wait3A_1088 : memref<32x48x1024xf32, #tpu.memory_space<vmem>>) dst(%dma_wait3A_1083 : memref<32x48x1024xf32, #tpu.memory_space<hbm>>)
      %dma_wait3A_1089 = tpu.memref_slice %arg7[%rem3A_0] : memref<2x!tpu.dma_semaphore, #tpu.memory_space<semaphore_mem>> -> memref<1x!tpu.dma_semaphore, #tpu.memory_space<semaphore_mem>>
      %dma_wait3A_1090 = tpu.memref_squeeze %dma_wait3A_1089 : memref<1x!tpu.dma_semaphore, #tpu.memory_space<semaphore_mem>> -> memref<!tpu.dma_semaphore, #tpu.memory_space<semaphore_mem>>
      %dma_wait3A_1091 = arith.constant 0 : i32
      %dma_wait3A_1092 = arith.constant 48 : i32
      %dma_wait3A_1093 = arith.constant 0 : i32
      %dma_wait3A_1094 = tpu.memref_slice %arg3[%dma_wait3A_1091, %dma_wait3A_1092, %dma_wait3A_1093] : memref<4096x50x1024xf32, #tpu.memory_space<hbm>> -> memref<32x2x1024xf32, #tpu.memory_space<hbm>>
      %dma_wait3A_1095 = arith.constant 0 : i32
      %dma_wait3A_1096 = arith.constant 0 : i32
      %dma_wait3A_1097 = arith.constant 0 : i32
      %dma_wait3A_1098 = tpu.memref_slice %arg5[%rem3A_0, %dma_wait3A_1095, %dma_wait3A_1096, %dma_wait3A_1097] : memref<2x32x2x1024xf32, #tpu.memory_space<vmem>> -> memref<1x32x2x1024xf32, #tpu.memory_space<vmem>>
      %dma_wait3A_1099 = tpu.memref_squeeze %dma_wait3A_1098 : memref<1x32x2x1024xf32, #tpu.memory_space<vmem>> -> memref<32x2x1024xf32, #tpu.memory_space<vmem>>
      tpu.wait_dma2 semaphore(%dma_wait3A_1090 : memref<!tpu.dma_semaphore, #tpu.memory_space<semaphore_mem>>) src(%dma_wait3A_1099 : memref<32x2x1024xf32, #tpu.memory_space<vmem>>) dst(%dma_wait3A_1094 : memref<32x2x1024xf32, #tpu.memory_space<hbm>>)
    } else {
    }
    %get3A = arith.constant 0 : index
    %get3A_3 = arith.constant 0 : index
    %get3A_4 = vector.load %arg2[%get3A, %get3A_3] : memref<128x1024xbf16, #tpu.memory_space<vmem>>, vector<128x1024xbf16>
    %get3A_5 = arith.constant 0 : index
    %get3A_6 = arith.constant 0 : index
    %get3A_7 = vector.load %arg1[%get3A_5, %get3A_6] : memref<1600x128xf32, #tpu.memory_space<vmem>>, vector<1600x128xf32>
    %convert_element_type3A_8 = arith.truncf %get3A_7 : vector<1600x128xf32> to vector<1600x128xbf16>
    %slice3A = vector.extract_strided_slice %convert_element_type3A_8 {offsets = [0, 0], sizes = [50, 128], strides = [1, 1]} : vector<1600x128xbf16> to vector<50x128xbf16>
    %dot_general3A = arith.constant dense<0.000000e+00> : vector<50x1024xf32>
    %dot_general3A_9 = tpu.matmul %slice3A, %get3A_4, %dot_general3A {dimension_numbers = #tpu.dot_dimension_numbers<[1], [0], [0], [1], [0, 0, 1, 1], [], []>, transpose_lhs_hint = false} : vector<50x128xbf16>, vector<128x1024xbf16>, vector<50x1024xf32> -> vector<50x1024xf32>
    %slice3A_10 = vector.extract_strided_slice %dot_general3A_9 {offsets = [0, 0], sizes = [48, 1024], strides = [1, 1]} : vector<50x1024xf32> to vector<48x1024xf32>
    %swap3A = arith.index_cast %rem3A_0 : i32 to index
    %swap3A_11 = arith.constant 0 : index
    %swap3A_12 = arith.constant 0 : index
    %swap3A_13 = arith.constant 0 : index
    %swap3A_14 = vector.load %arg4[%swap3A, %swap3A_11, %swap3A_12, %swap3A_13] : memref<2x32x48x1024xf32, #tpu.memory_space<vmem>>, vector<1x1x48x1024xf32>
    %swap3A_15 = vector.shape_cast %swap3A_14 : vector<1x1x48x1024xf32> to vector<48x1024xf32>
    %swap3A_16 = vector.shape_cast %slice3A_10 : vector<48x1024xf32> to vector<1x1x48x1024xf32>
    tpu.vector_store %arg4[%swap3A, %swap3A_11, %swap3A_12, %swap3A_13], %swap3A_16 {strides = array<i32>} : memref<2x32x48x1024xf32, #tpu.memory_space<vmem>>, vector<1x1x48x1024xf32>,
    %slice3A_17 = vector.extract_strided_slice %dot_general3A_9 {offsets = [48, 0], sizes = [2, 1024], strides = [1, 1]} : vector<50x1024xf32> to vector<2x1024xf32>
    %swap3A_18 = arith.index_cast %rem3A_0 : i32 to index
    %swap3A_19 = arith.constant 0 : index
    %swap3A_20 = arith.constant 0 : index
    %swap3A_21 = arith.constant 0 : index
    %swap3A_22 = vector.load %arg5[%swap3A_18, %swap3A_19, %swap3A_20, %swap3A_21] : memref<2x32x2x1024xf32, #tpu.memory_space<vmem>>, vector<1x1x2x1024xf32>
    %swap3A_23 = vector.shape_cast %swap3A_22 : vector<1x1x2x1024xf32> to vector<2x1024xf32>
    %swap3A_24 = vector.shape_cast %slice3A_17 : vector<2x1024xf32> to vector<1x1x2x1024xf32>
    tpu.vector_store %arg5[%swap3A_18, %swap3A_19, %swap3A_20, %swap3A_21], %swap3A_24 {strides = array<i32>} : memref<2x32x2x1024xf32, #tpu.memory_space<vmem>>, vector<1x1x2x1024xf32>,
    %slice3A_25 = vector.extract_strided_slice %convert_element_type3A_8 {offsets = [50, 0], sizes = [50, 128], strides = [1, 1]} : vector<1600x128xbf16> to vector<50x128xbf16>
    %dot_general3A_26 = arith.constant dense<0.000000e+00> : vector<50x1024xf32>
    %dot_general3A_27 = tpu.matmul %slice3A_25, %get3A_4, %dot_general3A_26 {dimension_numbers = #tpu.dot_dimension_numbers<[1], [0], [0], [1], [0, 0, 1, 1], [], []>, transpose_lhs_hint = false} : vector<50x128xbf16>, vector<128x1024xbf16>, vector<50x1024xf32> -> vector<50x1024xf32>
    %slice3A_28 = vector.extract_strided_slice %dot_general3A_27 {offsets = [0, 0], sizes = [48, 1024], strides = [1, 1]} : vector<50x1024xf32> to vector<48x1024xf32>
    %swap3A_29 = arith.index_cast %rem3A_0 : i32 to index
    %swap3A_30 = arith.constant 1 : index
    %swap3A_31 = arith.constant 0 : index
    %swap3A_32 = arith.constant 0 : index
    %swap3A_33 = vector.load %arg4[%swap3A_29, %swap3A_30, %swap3A_31, %swap3A_32] : memref<2x32x48x1024xf32, #tpu.memory_space<vmem>>, vector<1x1x48x1024xf32>
    %swap3A_34 = vector.shape_cast %swap3A_33 : vector<1x1x48x1024xf32> to vector<48x1024xf32>
    %swap3A_35 = vector.shape_cast %slice3A_28 : vector<48x1024xf32> to vector<1x1x48x1024xf32>
    tpu.vector_store %arg4[%swap3A_29, %swap3A_30, %swap3A_31, %swap3A_32], %swap3A_35 {strides = array<i32>} : memref<2x32x48x1024xf32, #tpu.memory_space<vmem>>, vector<1x1x48x1024xf32>,
    %slice3A_36 = vector.extract_strided_slice %dot_general3A_27 {offsets = [48, 0], sizes = [2, 1024], strides = [1, 1]} : vector<50x1024xf32> to vector<2x1024xf32>
    %swap3A_37 = arith.index_cast %rem3A_0 : i32 to index
    %swap3A_38 = arith.constant 1 : index
    %swap3A_39 = arith.constant 0 : index
    %swap3A_40 = arith.constant 0 : index
    %swap3A_41 = vector.load %arg5[%swap3A_37, %swap3A_38, %swap3A_39, %swap3A_40] : memref<2x32x2x1024xf32, #tpu.memory_space<vmem>>, vector<1x1x2x1024xf32>
    %swap3A_42 = vector.shape_cast %swap3A_41 : vector<1x1x2x1024xf32> to vector<2x1024xf32>
    %swap3A_43 = vector.shape_cast %slice3A_36 : vector<2x1024xf32> to vector<1x1x2x1024xf32>
    tpu.vector_store %arg5[%swap3A_37, %swap3A_38, %swap3A_39, %swap3A_40], %swap3A_43 {strides = array<i32>} : memref<2x32x2x1024xf32, #tpu.memory_space<vmem>>, vector<1x1x2x1024xf32>,
    %slice3A_44 = vector.extract_strided_slice %convert_element_type3A_8 {offsets = [100, 0], sizes = [50, 128], strides = [1, 1]} : vector<1600x128xbf16> to vector<50x128xbf16>
    %dot_general3A_45 = arith.constant dense<0.000000e+00> : vector<50x1024xf32>
    %dot_general3A_46 = tpu.matmul %slice3A_44, %get3A_4, %dot_general3A_45 {dimension_numbers = #tpu.dot_dimension_numbers<[1], [0], [0], [1], [0, 0, 1, 1], [], []>, transpose_lhs_hint = false} : vector<50x128xbf16>, vector<128x1024xbf16>, vector<50x1024xf32> -> vector<50x1024xf32>
    %slice3A_47 = vector.extract_strided_slice %dot_general3A_46 {offsets = [0, 0], sizes = [48, 1024], strides = [1, 1]} : vector<50x1024xf32> to vector<48x1024xf32>
    %swap3A_48 = arith.index_cast %rem3A_0 : i32 to index
    %swap3A_49 = arith.constant 2 : index
    %swap3A_50 = arith.constant 0 : index
    %swap3A_51 = arith.constant 0 : index
    %swap3A_52 = vector.load %arg4[%swap3A_48, %swap3A_49, %swap3A_50, %swap3A_51] : memref<2x32x48x1024xf32, #tpu.memory_space<vmem>>, vector<1x1x48x1024xf32>
    %swap3A_53 = vector.shape_cast %swap3A_52 : vector<1x1x48x1024xf32> to vector<48x1024xf32>
    %swap3A_54 = vector.shape_cast %slice3A_47 : vector<48x1024xf32> to vector<1x1x48x1024xf32>
    tpu.vector_store %arg4[%swap3A_48, %swap3A_49, %swap3A_50, %swap3A_51], %swap3A_54 {strides = array<i32>} : memref<2x32x48x1024xf32, #tpu.memory_space<vmem>>, vector<1x1x48x1024xf32>,
    %slice3A_55 = vector.extract_strided_slice %dot_general3A_46 {offsets = [48, 0], sizes = [2, 1024], strides = [1, 1]} : vector<50x1024xf32> to vector<2x1024xf32>
    %swap3A_56 = arith.index_cast %rem3A_0 : i32 to index
    %swap3A_57 = arith.constant 2 : index
    %swap3A_58 = arith.constant 0 : index
    %swap3A_59 = arith.constant 0 : index
    %swap3A_60 = vector.load %arg5[%swap3A_56, %swap3A_57, %swap3A_58, %swap3A_59] : memref<2x32x2x1024xf32, #tpu.memory_space<vmem>>, vector<1x1x2x1024xf32>
    %swap3A_61 = vector.shape_cast %swap3A_60 : vector<1x1x2x1024xf32> to vector<2x1024xf32>
    %swap3A_62 = vector.shape_cast %slice3A_55 : vector<2x1024xf32> to vector<1x1x2x1024xf32>
    tpu.vector_store %arg5[%swap3A_56, %swap3A_57, %swap3A_58, %swap3A_59], %swap3A_62 {strides = array<i32>} : memref<2x32x2x1024xf32, #tpu.memory_space<vmem>>, vector<1x1x2x1024xf32>,
    %slice3A_63 = vector.extract_strided_slice %convert_element_type3A_8 {offsets = [150, 0], sizes = [50, 128], strides = [1, 1]} : vector<1600x128xbf16> to vector<50x128xbf16>
    %dot_general3A_64 = arith.constant dense<0.000000e+00> : vector<50x1024xf32>
    %dot_general3A_65 = tpu.matmul %slice3A_63, %get3A_4, %dot_general3A_64 {dimension_numbers = #tpu.dot_dimension_numbers<[1], [0], [0], [1], [0, 0, 1, 1], [], []>, transpose_lhs_hint = false} : vector<50x128xbf16>, vector<128x1024xbf16>, vector<50x1024xf32> -> vector<50x1024xf32>
    %slice3A_66 = vector.extract_strided_slice %dot_general3A_65 {offsets = [0, 0], sizes = [48, 1024], strides = [1, 1]} : vector<50x1024xf32> to vector<48x1024xf32>
    %swap3A_67 = arith.index_cast %rem3A_0 : i32 to index
    %swap3A_68 = arith.constant 3 : index
    %swap3A_69 = arith.constant 0 : index
    %swap3A_70 = arith.constant 0 : index
    %swap3A_71 = vector.load %arg4[%swap3A_67, %swap3A_68, %swap3A_69, %swap3A_70] : memref<2x32x48x1024xf32, #tpu.memory_space<vmem>>, vector<1x1x48x1024xf32>
    %swap3A_72 = vector.shape_cast %swap3A_71 : vector<1x1x48x1024xf32> to vector<48x1024xf32>
    %swap3A_73 = vector.shape_cast %slice3A_66 : vector<48x1024xf32> to vector<1x1x48x1024xf32>
    tpu.vector_store %arg4[%swap3A_67, %swap3A_68, %swap3A_69, %swap3A_70], %swap3A_73 {strides = array<i32>} : memref<2x32x48x1024xf32, #tpu.memory_space<vmem>>, vector<1x1x48x1024xf32>,
    %slice3A_74 = vector.extract_strided_slice %dot_general3A_65 {offsets = [48, 0], sizes = [2, 1024], strides = [1, 1]} : vector<50x1024xf32> to vector<2x1024xf32>
    %swap3A_75 = arith.index_cast %rem3A_0 : i32 to index
    %swap3A_76 = arith.constant 3 : index
    %swap3A_77 = arith.constant 0 : index
    %swap3A_78 = arith.constant 0 : index
    %swap3A_79 = vector.load %arg5[%swap3A_75, %swap3A_76, %swap3A_77, %swap3A_78] : memref<2x32x2x1024xf32, #tpu.memory_space<vmem>>, vector<1x1x2x1024xf32>
    %swap3A_80 = vector.shape_cast %swap3A_79 : vector<1x1x2x1024xf32> to vector<2x1024xf32>
    %swap3A_81 = vector.shape_cast %slice3A_74 : vector<2x1024xf32> to vector<1x1x2x1024xf32>
    tpu.vector_store %arg5[%swap3A_75, %swap3A_76, %swap3A_77, %swap3A_78], %swap3A_81 {strides = array<i32>} : memref<2x32x2x1024xf32, #tpu.memory_space<vmem>>, vector<1x1x2x1024xf32>,
    %slice3A_82 = vector.extract_strided_slice %convert_element_type3A_8 {offsets = [200, 0], sizes = [50, 128], strides = [1, 1]} : vector<1600x128xbf16> to vector<50x128xbf16>
    %dot_general3A_83 = arith.constant dense<0.000000e+00> : vector<50x1024xf32>
    %dot_general3A_84 = tpu.matmul %slice3A_82, %get3A_4, %dot_general3A_83 {dimension_numbers = #tpu.dot_dimension_numbers<[1], [0], [0], [1], [0, 0, 1, 1], [], []>, transpose_lhs_hint = false} : vector<50x128xbf16>, vector<128x1024xbf16>, vector<50x1024xf32> -> vector<50x1024xf32>
    %slice3A_85 = vector.extract_strided_slice %dot_general3A_84 {offsets = [0, 0], sizes = [48, 1024], strides = [1, 1]} : vector<50x1024xf32> to vector<48x1024xf32>
    %swap3A_86 = arith.index_cast %rem3A_0 : i32 to index
    %swap3A_87 = arith.constant 4 : index
    %swap3A_88 = arith.constant 0 : index
    %swap3A_89 = arith.constant 0 : index
    %swap3A_90 = vector.load %arg4[%swap3A_86, %swap3A_87, %swap3A_88, %swap3A_89] : memref<2x32x48x1024xf32, #tpu.memory_space<vmem>>, vector<1x1x48x1024xf32>
    %swap3A_91 = vector.shape_cast %swap3A_90 : vector<1x1x48x1024xf32> to vector<48x1024xf32>
    %swap3A_92 = vector.shape_cast %slice3A_85 : vector<48x1024xf32> to vector<1x1x48x1024xf32>
    tpu.vector_store %arg4[%swap3A_86, %swap3A_87, %swap3A_88, %swap3A_89], %swap3A_92 {strides = array<i32>} : memref<2x32x48x1024xf32, #tpu.memory_space<vmem>>, vector<1x1x48x1024xf32>,
    %slice3A_93 = vector.extract_strided_slice %dot_general3A_84 {offsets = [48, 0], sizes = [2, 1024], strides = [1, 1]} : vector<50x1024xf32> to vector<2x1024xf32>
    %swap3A_94 = arith.index_cast %rem3A_0 : i32 to index
    %swap3A_95 = arith.constant 4 : index
    %swap3A_96 = arith.constant 0 : index
    %swap3A_97 = arith.constant 0 : index
    %swap3A_98 = vector.load %arg5[%swap3A_94, %swap3A_95, %swap3A_96, %swap3A_97] : memref<2x32x2x1024xf32, #tpu.memory_space<vmem>>, vector<1x1x2x1024xf32>
    %swap3A_99 = vector.shape_cast %swap3A_98 : vector<1x1x2x1024xf32> to vector<2x1024xf32>
    %swap3A_100 = vector.shape_cast %slice3A_93 : vector<2x1024xf32> to vector<1x1x2x1024xf32>
    tpu.vector_store %arg5[%swap3A_94, %swap3A_95, %swap3A_96, %swap3A_97], %swap3A_100 {strides = array<i32>} : memref<2x32x2x1024xf32, #tpu.memory_space<vmem>>, vector<1x1x2x1024xf32>,
    %slice3A_101 = vector.extract_strided_slice %convert_element_type3A_8 {offsets = [250, 0], sizes = [50, 128], strides = [1, 1]} : vector<1600x128xbf16> to vector<50x128xbf16>
    %dot_general3A_102 = arith.constant dense<0.000000e+00> : vector<50x1024xf32>
    %dot_general3A_103 = tpu.matmul %slice3A_101, %get3A_4, %dot_general3A_102 {dimension_numbers = #tpu.dot_dimension_numbers<[1], [0], [0], [1], [0, 0, 1, 1], [], []>, transpose_lhs_hint = false} : vector<50x128xbf16>, vector<128x1024xbf16>, vector<50x1024xf32> -> vector<50x1024xf32>
    %slice3A_104 = vector.extract_strided_slice %dot_general3A_103 {offsets = [0, 0], sizes = [48, 1024], strides = [1, 1]} : vector<50x1024xf32> to vector<48x1024xf32>
    %swap3A_105 = arith.index_cast %rem3A_0 : i32 to index
    %swap3A_106 = arith.constant 5 : index
    %swap3A_107 = arith.constant 0 : index
    %swap3A_108 = arith.constant 0 : index
    %swap3A_109 = vector.load %arg4[%swap3A_105, %swap3A_106, %swap3A_107, %swap3A_108] : memref<2x32x48x1024xf32, #tpu.memory_space<vmem>>, vector<1x1x48x1024xf32>
    %swap3A_110 = vector.shape_cast %swap3A_109 : vector<1x1x48x1024xf32> to vector<48x1024xf32>
    %swap3A_111 = vector.shape_cast %slice3A_104 : vector<48x1024xf32> to vector<1x1x48x1024xf32>
    tpu.vector_store %arg4[%swap3A_105, %swap3A_106, %swap3A_107, %swap3A_108], %swap3A_111 {strides = array<i32>} : memref<2x32x48x1024xf32, #tpu.memory_space<vmem>>, vector<1x1x48x1024xf32>,
    %slice3A_112 = vector.extract_strided_slice %dot_general3A_103 {offsets = [48, 0], sizes = [2, 1024], strides = [1, 1]} : vector<50x1024xf32> to vector<2x1024xf32>
    %swap3A_113 = arith.index_cast %rem3A_0 : i32 to index
    %swap3A_114 = arith.constant 5 : index
    %swap3A_115 = arith.constant 0 : index
    %swap3A_116 = arith.constant 0 : index
    %swap3A_117 = vector.load %arg5[%swap3A_113, %swap3A_114, %swap3A_115, %swap3A_116] : memref<2x32x2x1024xf32, #tpu.memory_space<vmem>>, vector<1x1x2x1024xf32>
    %swap3A_118 = vector.shape_cast %swap3A_117 : vector<1x1x2x1024xf32> to vector<2x1024xf32>
    %swap3A_119 = vector.shape_cast %slice3A_112 : vector<2x1024xf32> to vector<1x1x2x1024xf32>
    tpu.vector_store %arg5[%swap3A_113, %swap3A_114, %swap3A_115, %swap3A_116], %swap3A_119 {strides = array<i32>} : memref<2x32x2x1024xf32, #tpu.memory_space<vmem>>, vector<1x1x2x1024xf32>,
    %slice3A_120 = vector.extract_strided_slice %convert_element_type3A_8 {offsets = [300, 0], sizes = [50, 128], strides = [1, 1]} : vector<1600x128xbf16> to vector<50x128xbf16>
    %dot_general3A_121 = arith.constant dense<0.000000e+00> : vector<50x1024xf32>
    %dot_general3A_122 = tpu.matmul %slice3A_120, %get3A_4, %dot_general3A_121 {dimension_numbers = #tpu.dot_dimension_numbers<[1], [0], [0], [1], [0, 0, 1, 1], [], []>, transpose_lhs_hint = false} : vector<50x128xbf16>, vector<128x1024xbf16>, vector<50x1024xf32> -> vector<50x1024xf32>
    %slice3A_123 = vector.extract_strided_slice %dot_general3A_122 {offsets = [0, 0], sizes = [48, 1024], strides = [1, 1]} : vector<50x1024xf32> to vector<48x1024xf32>
    %swap3A_124 = arith.index_cast %rem3A_0 : i32 to index
    %swap3A_125 = arith.constant 6 : index
    %swap3A_126 = arith.constant 0 : index
    %swap3A_127 = arith.constant 0 : index
    %swap3A_128 = vector.load %arg4[%swap3A_124, %swap3A_125, %swap3A_126, %swap3A_127] : memref<2x32x48x1024xf32, #tpu.memory_space<vmem>>, vector<1x1x48x1024xf32>
    %swap3A_129 = vector.shape_cast %swap3A_128 : vector<1x1x48x1024xf32> to vector<48x1024xf32>
    %swap3A_130 = vector.shape_cast %slice3A_123 : vector<48x1024xf32> to vector<1x1x48x1024xf32>
    tpu.vector_store %arg4[%swap3A_124, %swap3A_125, %swap3A_126, %swap3A_127], %swap3A_130 {strides = array<i32>} : memref<2x32x48x1024xf32, #tpu.memory_space<vmem>>, vector<1x1x48x1024xf32>,
    %slice3A_131 = vector.extract_strided_slice %dot_general3A_122 {offsets = [48, 0], sizes = [2, 1024], strides = [1, 1]} : vector<50x1024xf32> to vector<2x1024xf32>
    %swap3A_132 = arith.index_cast %rem3A_0 : i32 to index
    %swap3A_133 = arith.constant 6 : index
    %swap3A_134 = arith.constant 0 : index
    %swap3A_135 = arith.constant 0 : index
    %swap3A_136 = vector.load %arg5[%swap3A_132, %swap3A_133, %swap3A_134, %swap3A_135] : memref<2x32x2x1024xf32, #tpu.memory_space<vmem>>, vector<1x1x2x1024xf32>
    %swap3A_137 = vector.shape_cast %swap3A_136 : vector<1x1x2x1024xf32> to vector<2x1024xf32>
    %swap3A_138 = vector.shape_cast %slice3A_131 : vector<2x1024xf32> to vector<1x1x2x1024xf32>
    tpu.vector_store %arg5[%swap3A_132, %swap3A_133, %swap3A_134, %swap3A_135], %swap3A_138 {strides = array<i32>} : memref<2x32x2x1024xf32, #tpu.memory_space<vmem>>, vector<1x1x2x1024xf32>,
    %slice3A_139 = vector.extract_strided_slice %convert_element_type3A_8 {offsets = [350, 0], sizes = [50, 128], strides = [1, 1]} : vector<1600x128xbf16> to vector<50x128xbf16>
    %dot_general3A_140 = arith.constant dense<0.000000e+00> : vector<50x1024xf32>
    %dot_general3A_141 = tpu.matmul %slice3A_139, %get3A_4, %dot_general3A_140 {dimension_numbers = #tpu.dot_dimension_numbers<[1], [0], [0], [1], [0, 0, 1, 1], [], []>, transpose_lhs_hint = false} : vector<50x128xbf16>, vector<128x1024xbf16>, vector<50x1024xf32> -> vector<50x1024xf32>
    %slice3A_142 = vector.extract_strided_slice %dot_general3A_141 {offsets = [0, 0], sizes = [48, 1024], strides = [1, 1]} : vector<50x1024xf32> to vector<48x1024xf32>
    %swap3A_143 = arith.index_cast %rem3A_0 : i32 to index
    %swap3A_144 = arith.constant 7 : index
    %swap3A_145 = arith.constant 0 : index
    %swap3A_146 = arith.constant 0 : index
    %swap3A_147 = vector.load %arg4[%swap3A_143, %swap3A_144, %swap3A_145, %swap3A_146] : memref<2x32x48x1024xf32, #tpu.memory_space<vmem>>, vector<1x1x48x1024xf32>
    %swap3A_148 = vector.shape_cast %swap3A_147 : vector<1x1x48x1024xf32> to vector<48x1024xf32>
    %swap3A_149 = vector.shape_cast %slice3A_142 : vector<48x1024xf32> to vector<1x1x48x1024xf32>
    tpu.vector_store %arg4[%swap3A_143, %swap3A_144, %swap3A_145, %swap3A_146], %swap3A_149 {strides = array<i32>} : memref<2x32x48x1024xf32, #tpu.memory_space<vmem>>, vector<1x1x48x1024xf32>,
    %slice3A_150 = vector.extract_strided_slice %dot_general3A_141 {offsets = [48, 0], sizes = [2, 1024], strides = [1, 1]} : vector<50x1024xf32> to vector<2x1024xf32>
    %swap3A_151 = arith.index_cast %rem3A_0 : i32 to index
    %swap3A_152 = arith.constant 7 : index
    %swap3A_153 = arith.constant 0 : index
    %swap3A_154 = arith.constant 0 : index
    %swap3A_155 = vector.load %arg5[%swap3A_151, %swap3A_152, %swap3A_153, %swap3A_154] : memref<2x32x2x1024xf32, #tpu.memory_space<vmem>>, vector<1x1x2x1024xf32>
    %swap3A_156 = vector.shape_cast %swap3A_155 : vector<1x1x2x1024xf32> to vector<2x1024xf32>
    %swap3A_157 = vector.shape_cast %slice3A_150 : vector<2x1024xf32> to vector<1x1x2x1024xf32>
    tpu.vector_store %arg5[%swap3A_151, %swap3A_152, %swap3A_153, %swap3A_154], %swap3A_157 {strides = array<i32>} : memref<2x32x2x1024xf32, #tpu.memory_space<vmem>>, vector<1x1x2x1024xf32>,
    %slice3A_158 = vector.extract_strided_slice %convert_element_type3A_8 {offsets = [400, 0], sizes = [50, 128], strides = [1, 1]} : vector<1600x128xbf16> to vector<50x128xbf16>
    %dot_general3A_159 = arith.constant dense<0.000000e+00> : vector<50x1024xf32>
    %dot_general3A_160 = tpu.matmul %slice3A_158, %get3A_4, %dot_general3A_159 {dimension_numbers = #tpu.dot_dimension_numbers<[1], [0], [0], [1], [0, 0, 1, 1], [], []>, transpose_lhs_hint = false} : vector<50x128xbf16>, vector<128x1024xbf16>, vector<50x1024xf32> -> vector<50x1024xf32>
    %slice3A_161 = vector.extract_strided_slice %dot_general3A_160 {offsets = [0, 0], sizes = [48, 1024], strides = [1, 1]} : vector<50x1024xf32> to vector<48x1024xf32>
    %swap3A_162 = arith.index_cast %rem3A_0 : i32 to index
    %swap3A_163 = arith.constant 8 : index
    %swap3A_164 = arith.constant 0 : index
    %swap3A_165 = arith.constant 0 : index
    %swap3A_166 = vector.load %arg4[%swap3A_162, %swap3A_163, %swap3A_164, %swap3A_165] : memref<2x32x48x1024xf32, #tpu.memory_space<vmem>>, vector<1x1x48x1024xf32>
    %swap3A_167 = vector.shape_cast %swap3A_166 : vector<1x1x48x1024xf32> to vector<48x1024xf32>
    %swap3A_168 = vector.shape_cast %slice3A_161 : vector<48x1024xf32> to vector<1x1x48x1024xf32>
    tpu.vector_store %arg4[%swap3A_162, %swap3A_163, %swap3A_164, %swap3A_165], %swap3A_168 {strides = array<i32>} : memref<2x32x48x1024xf32, #tpu.memory_space<vmem>>, vector<1x1x48x1024xf32>,
    %slice3A_169 = vector.extract_strided_slice %dot_general3A_160 {offsets = [48, 0], sizes = [2, 1024], strides = [1, 1]} : vector<50x1024xf32> to vector<2x1024xf32>
    %swap3A_170 = arith.index_cast %rem3A_0 : i32 to index
    %swap3A_171 = arith.constant 8 : index
    %swap3A_172 = arith.constant 0 : index
    %swap3A_173 = arith.constant 0 : index
    %swap3A_174 = vector.load %arg5[%swap3A_170, %swap3A_171, %swap3A_172, %swap3A_173] : memref<2x32x2x1024xf32, #tpu.memory_space<vmem>>, vector<1x1x2x1024xf32>
    %swap3A_175 = vector.shape_cast %swap3A_174 : vector<1x1x2x1024xf32> to vector<2x1024xf32>
    %swap3A_176 = vector.shape_cast %slice3A_169 : vector<2x1024xf32> to vector<1x1x2x1024xf32>
    tpu.vector_store %arg5[%swap3A_170, %swap3A_171, %swap3A_172, %swap3A_173], %swap3A_176 {strides = array<i32>} : memref<2x32x2x1024xf32, #tpu.memory_space<vmem>>, vector<1x1x2x1024xf32>,
    %slice3A_177 = vector.extract_strided_slice %convert_element_type3A_8 {offsets = [450, 0], sizes = [50, 128], strides = [1, 1]} : vector<1600x128xbf16> to vector<50x128xbf16>
    %dot_general3A_178 = arith.constant dense<0.000000e+00> : vector<50x1024xf32>
    %dot_general3A_179 = tpu.matmul %slice3A_177, %get3A_4, %dot_general3A_178 {dimension_numbers = #tpu.dot_dimension_numbers<[1], [0], [0], [1], [0, 0, 1, 1], [], []>, transpose_lhs_hint = false} : vector<50x128xbf16>, vector<128x1024xbf16>, vector<50x1024xf32> -> vector<50x1024xf32>
    %slice3A_180 = vector.extract_strided_slice %dot_general3A_179 {offsets = [0, 0], sizes = [48, 1024], strides = [1, 1]} : vector<50x1024xf32> to vector<48x1024xf32>
    %swap3A_181 = arith.index_cast %rem3A_0 : i32 to index
    %swap3A_182 = arith.constant 9 : index
    %swap3A_183 = arith.constant 0 : index
    %swap3A_184 = arith.constant 0 : index
    %swap3A_185 = vector.load %arg4[%swap3A_181, %swap3A_182, %swap3A_183, %swap3A_184] : memref<2x32x48x1024xf32, #tpu.memory_space<vmem>>, vector<1x1x48x1024xf32>
    %swap3A_186 = vector.shape_cast %swap3A_185 : vector<1x1x48x1024xf32> to vector<48x1024xf32>
    %swap3A_187 = vector.shape_cast %slice3A_180 : vector<48x1024xf32> to vector<1x1x48x1024xf32>
    tpu.vector_store %arg4[%swap3A_181, %swap3A_182, %swap3A_183, %swap3A_184], %swap3A_187 {strides = array<i32>} : memref<2x32x48x1024xf32, #tpu.memory_space<vmem>>, vector<1x1x48x1024xf32>,
    %slice3A_188 = vector.extract_strided_slice %dot_general3A_179 {offsets = [48, 0], sizes = [2, 1024], strides = [1, 1]} : vector<50x1024xf32> to vector<2x1024xf32>
    %swap3A_189 = arith.index_cast %rem3A_0 : i32 to index
    %swap3A_190 = arith.constant 9 : index
    %swap3A_191 = arith.constant 0 : index
    %swap3A_192 = arith.constant 0 : index
    %swap3A_193 = vector.load %arg5[%swap3A_189, %swap3A_190, %swap3A_191, %swap3A_192] : memref<2x32x2x1024xf32, #tpu.memory_space<vmem>>, vector<1x1x2x1024xf32>
    %swap3A_194 = vector.shape_cast %swap3A_193 : vector<1x1x2x1024xf32> to vector<2x1024xf32>
    %swap3A_195 = vector.shape_cast %slice3A_188 : vector<2x1024xf32> to vector<1x1x2x1024xf32>
    tpu.vector_store %arg5[%swap3A_189, %swap3A_190, %swap3A_191, %swap3A_192], %swap3A_195 {strides = array<i32>} : memref<2x32x2x1024xf32, #tpu.memory_space<vmem>>, vector<1x1x2x1024xf32>,
    %slice3A_196 = vector.extract_strided_slice %convert_element_type3A_8 {offsets = [500, 0], sizes = [50, 128], strides = [1, 1]} : vector<1600x128xbf16> to vector<50x128xbf16>
    %dot_general3A_197 = arith.constant dense<0.000000e+00> : vector<50x1024xf32>
    %dot_general3A_198 = tpu.matmul %slice3A_196, %get3A_4, %dot_general3A_197 {dimension_numbers = #tpu.dot_dimension_numbers<[1], [0], [0], [1], [0, 0, 1, 1], [], []>, transpose_lhs_hint = false} : vector<50x128xbf16>, vector<128x1024xbf16>, vector<50x1024xf32> -> vector<50x1024xf32>
    %slice3A_199 = vector.extract_strided_slice %dot_general3A_198 {offsets = [0, 0], sizes = [48, 1024], strides = [1, 1]} : vector<50x1024xf32> to vector<48x1024xf32>
    %swap3A_200 = arith.index_cast %rem3A_0 : i32 to index
    %swap3A_201 = arith.constant 10 : index
    %swap3A_202 = arith.constant 0 : index
    %swap3A_203 = arith.constant 0 : index
    %swap3A_204 = vector.load %arg4[%swap3A_200, %swap3A_201, %swap3A_202, %swap3A_203] : memref<2x32x48x1024xf32, #tpu.memory_space<vmem>>, vector<1x1x48x1024xf32>
    %swap3A_205 = vector.shape_cast %swap3A_204 : vector<1x1x48x1024xf32> to vector<48x1024xf32>
    %swap3A_206 = vector.shape_cast %slice3A_199 : vector<48x1024xf32> to vector<1x1x48x1024xf32>
    tpu.vector_store %arg4[%swap3A_200, %swap3A_201, %swap3A_202, %swap3A_203], %swap3A_206 {strides = array<i32>} : memref<2x32x48x1024xf32, #tpu.memory_space<vmem>>, vector<1x1x48x1024xf32>,
    %slice3A_207 = vector.extract_strided_slice %dot_general3A_198 {offsets = [48, 0], sizes = [2, 1024], strides = [1, 1]} : vector<50x1024xf32> to vector<2x1024xf32>
    %swap3A_208 = arith.index_cast %rem3A_0 : i32 to index
    %swap3A_209 = arith.constant 10 : index
    %swap3A_210 = arith.constant 0 : index
    %swap3A_211 = arith.constant 0 : index
    %swap3A_212 = vector.load %arg5[%swap3A_208, %swap3A_209, %swap3A_210, %swap3A_211] : memref<2x32x2x1024xf32, #tpu.memory_space<vmem>>, vector<1x1x2x1024xf32>
    %swap3A_213 = vector.shape_cast %swap3A_212 : vector<1x1x2x1024xf32> to vector<2x1024xf32>
    %swap3A_214 = vector.shape_cast %slice3A_207 : vector<2x1024xf32> to vector<1x1x2x1024xf32>
    tpu.vector_store %arg5[%swap3A_208, %swap3A_209, %swap3A_210, %swap3A_211], %swap3A_214 {strides = array<i32>} : memref<2x32x2x1024xf32, #tpu.memory_space<vmem>>, vector<1x1x2x1024xf32>,
    %slice3A_215 = vector.extract_strided_slice %convert_element_type3A_8 {offsets = [550, 0], sizes = [50, 128], strides = [1, 1]} : vector<1600x128xbf16> to vector<50x128xbf16>
    %dot_general3A_216 = arith.constant dense<0.000000e+00> : vector<50x1024xf32>
    %dot_general3A_217 = tpu.matmul %slice3A_215, %get3A_4, %dot_general3A_216 {dimension_numbers = #tpu.dot_dimension_numbers<[1], [0], [0], [1], [0, 0, 1, 1], [], []>, transpose_lhs_hint = false} : vector<50x128xbf16>, vector<128x1024xbf16>, vector<50x1024xf32> -> vector<50x1024xf32>
    %slice3A_218 = vector.extract_strided_slice %dot_general3A_217 {offsets = [0, 0], sizes = [48, 1024], strides = [1, 1]} : vector<50x1024xf32> to vector<48x1024xf32>
    %swap3A_219 = arith.index_cast %rem3A_0 : i32 to index
    %swap3A_220 = arith.constant 11 : index
    %swap3A_221 = arith.constant 0 : index
    %swap3A_222 = arith.constant 0 : index
    %swap3A_223 = vector.load %arg4[%swap3A_219, %swap3A_220, %swap3A_221, %swap3A_222] : memref<2x32x48x1024xf32, #tpu.memory_space<vmem>>, vector<1x1x48x1024xf32>
    %swap3A_224 = vector.shape_cast %swap3A_223 : vector<1x1x48x1024xf32> to vector<48x1024xf32>
    %swap3A_225 = vector.shape_cast %slice3A_218 : vector<48x1024xf32> to vector<1x1x48x1024xf32>
    tpu.vector_store %arg4[%swap3A_219, %swap3A_220, %swap3A_221, %swap3A_222], %swap3A_225 {strides = array<i32>} : memref<2x32x48x1024xf32, #tpu.memory_space<vmem>>, vector<1x1x48x1024xf32>,
    %slice3A_226 = vector.extract_strided_slice %dot_general3A_217 {offsets = [48, 0], sizes = [2, 1024], strides = [1, 1]} : vector<50x1024xf32> to vector<2x1024xf32>
    %swap3A_227 = arith.index_cast %rem3A_0 : i32 to index
    %swap3A_228 = arith.constant 11 : index
    %swap3A_229 = arith.constant 0 : index
    %swap3A_230 = arith.constant 0 : index
    %swap3A_231 = vector.load %arg5[%swap3A_227, %swap3A_228, %swap3A_229, %swap3A_230] : memref<2x32x2x1024xf32, #tpu.memory_space<vmem>>, vector<1x1x2x1024xf32>
    %swap3A_232 = vector.shape_cast %swap3A_231 : vector<1x1x2x1024xf32> to vector<2x1024xf32>
    %swap3A_233 = vector.shape_cast %slice3A_226 : vector<2x1024xf32> to vector<1x1x2x1024xf32>
    tpu.vector_store %arg5[%swap3A_227, %swap3A_228, %swap3A_229, %swap3A_230], %swap3A_233 {strides = array<i32>} : memref<2x32x2x1024xf32, #tpu.memory_space<vmem>>, vector<1x1x2x1024xf32>,
    %slice3A_234 = vector.extract_strided_slice %convert_element_type3A_8 {offsets = [600, 0], sizes = [50, 128], strides = [1, 1]} : vector<1600x128xbf16> to vector<50x128xbf16>
    %dot_general3A_235 = arith.constant dense<0.000000e+00> : vector<50x1024xf32>
    %dot_general3A_236 = tpu.matmul %slice3A_234, %get3A_4, %dot_general3A_235 {dimension_numbers = #tpu.dot_dimension_numbers<[1], [0], [0], [1], [0, 0, 1, 1], [], []>, transpose_lhs_hint = false} : vector<50x128xbf16>, vector<128x1024xbf16>, vector<50x1024xf32> -> vector<50x1024xf32>
    %slice3A_237 = vector.extract_strided_slice %dot_general3A_236 {offsets = [0, 0], sizes = [48, 1024], strides = [1, 1]} : vector<50x1024xf32> to vector<48x1024xf32>
    %swap3A_238 = arith.index_cast %rem3A_0 : i32 to index
    %swap3A_239 = arith.constant 12 : index
    %swap3A_240 = arith.constant 0 : index
    %swap3A_241 = arith.constant 0 : index
    %swap3A_242 = vector.load %arg4[%swap3A_238, %swap3A_239, %swap3A_240, %swap3A_241] : memref<2x32x48x1024xf32, #tpu.memory_space<vmem>>, vector<1x1x48x1024xf32>
    %swap3A_243 = vector.shape_cast %swap3A_242 : vector<1x1x48x1024xf32> to vector<48x1024xf32>
    %swap3A_244 = vector.shape_cast %slice3A_237 : vector<48x1024xf32> to vector<1x1x48x1024xf32>
    tpu.vector_store %arg4[%swap3A_238, %swap3A_239, %swap3A_240, %swap3A_241], %swap3A_244 {strides = array<i32>} : memref<2x32x48x1024xf32, #tpu.memory_space<vmem>>, vector<1x1x48x1024xf32>,
    %slice3A_245 = vector.extract_strided_slice %dot_general3A_236 {offsets = [48, 0], sizes = [2, 1024], strides = [1, 1]} : vector<50x1024xf32> to vector<2x1024xf32>
    %swap3A_246 = arith.index_cast %rem3A_0 : i32 to index
    %swap3A_247 = arith.constant 12 : index
    %swap3A_248 = arith.constant 0 : index
    %swap3A_249 = arith.constant 0 : index
    %swap3A_250 = vector.load %arg5[%swap3A_246, %swap3A_247, %swap3A_248, %swap3A_249] : memref<2x32x2x1024xf32, #tpu.memory_space<vmem>>, vector<1x1x2x1024xf32>
    %swap3A_251 = vector.shape_cast %swap3A_250 : vector<1x1x2x1024xf32> to vector<2x1024xf32>
    %swap3A_252 = vector.shape_cast %slice3A_245 : vector<2x1024xf32> to vector<1x1x2x1024xf32>
    tpu.vector_store %arg5[%swap3A_246, %swap3A_247, %swap3A_248, %swap3A_249], %swap3A_252 {strides = array<i32>} : memref<2x32x2x1024xf32, #tpu.memory_space<vmem>>, vector<1x1x2x1024xf32>,
    %slice3A_253 = vector.extract_strided_slice %convert_element_type3A_8 {offsets = [650, 0], sizes = [50, 128], strides = [1, 1]} : vector<1600x128xbf16> to vector<50x128xbf16>
    %dot_general3A_254 = arith.constant dense<0.000000e+00> : vector<50x1024xf32>
    %dot_general3A_255 = tpu.matmul %slice3A_253, %get3A_4, %dot_general3A_254 {dimension_numbers = #tpu.dot_dimension_numbers<[1], [0], [0], [1], [0, 0, 1, 1], [], []>, transpose_lhs_hint = false} : vector<50x128xbf16>, vector<128x1024xbf16>, vector<50x1024xf32> -> vector<50x1024xf32>
    %slice3A_256 = vector.extract_strided_slice %dot_general3A_255 {offsets = [0, 0], sizes = [48, 1024], strides = [1, 1]} : vector<50x1024xf32> to vector<48x1024xf32>
    %swap3A_257 = arith.index_cast %rem3A_0 : i32 to index
    %swap3A_258 = arith.constant 13 : index
    %swap3A_259 = arith.constant 0 : index
    %swap3A_260 = arith.constant 0 : index
    %swap3A_261 = vector.load %arg4[%swap3A_257, %swap3A_258, %swap3A_259, %swap3A_260] : memref<2x32x48x1024xf32, #tpu.memory_space<vmem>>, vector<1x1x48x1024xf32>
    %swap3A_262 = vector.shape_cast %swap3A_261 : vector<1x1x48x1024xf32> to vector<48x1024xf32>
    %swap3A_263 = vector.shape_cast %slice3A_256 : vector<48x1024xf32> to vector<1x1x48x1024xf32>
    tpu.vector_store %arg4[%swap3A_257, %swap3A_258, %swap3A_259, %swap3A_260], %swap3A_263 {strides = array<i32>} : memref<2x32x48x1024xf32, #tpu.memory_space<vmem>>, vector<1x1x48x1024xf32>,
    %slice3A_264 = vector.extract_strided_slice %dot_general3A_255 {offsets = [48, 0], sizes = [2, 1024], strides = [1, 1]} : vector<50x1024xf32> to vector<2x1024xf32>
    %swap3A_265 = arith.index_cast %rem3A_0 : i32 to index
    %swap3A_266 = arith.constant 13 : index
    %swap3A_267 = arith.constant 0 : index
    %swap3A_268 = arith.constant 0 : index
    %swap3A_269 = vector.load %arg5[%swap3A_265, %swap3A_266, %swap3A_267, %swap3A_268] : memref<2x32x2x1024xf32, #tpu.memory_space<vmem>>, vector<1x1x2x1024xf32>
    %swap3A_270 = vector.shape_cast %swap3A_269 : vector<1x1x2x1024xf32> to vector<2x1024xf32>
    %swap3A_271 = vector.shape_cast %slice3A_264 : vector<2x1024xf32> to vector<1x1x2x1024xf32>
    tpu.vector_store %arg5[%swap3A_265, %swap3A_266, %swap3A_267, %swap3A_268], %swap3A_271 {strides = array<i32>} : memref<2x32x2x1024xf32, #tpu.memory_space<vmem>>, vector<1x1x2x1024xf32>,
    %slice3A_272 = vector.extract_strided_slice %convert_element_type3A_8 {offsets = [700, 0], sizes = [50, 128], strides = [1, 1]} : vector<1600x128xbf16> to vector<50x128xbf16>
    %dot_general3A_273 = arith.constant dense<0.000000e+00> : vector<50x1024xf32>
    %dot_general3A_274 = tpu.matmul %slice3A_272, %get3A_4, %dot_general3A_273 {dimension_numbers = #tpu.dot_dimension_numbers<[1], [0], [0], [1], [0, 0, 1, 1], [], []>, transpose_lhs_hint = false} : vector<50x128xbf16>, vector<128x1024xbf16>, vector<50x1024xf32> -> vector<50x1024xf32>
    %slice3A_275 = vector.extract_strided_slice %dot_general3A_274 {offsets = [0, 0], sizes = [48, 1024], strides = [1, 1]} : vector<50x1024xf32> to vector<48x1024xf32>
    %swap3A_276 = arith.index_cast %rem3A_0 : i32 to index
    %swap3A_277 = arith.constant 14 : index
    %swap3A_278 = arith.constant 0 : index
    %swap3A_279 = arith.constant 0 : index
    %swap3A_280 = vector.load %arg4[%swap3A_276, %swap3A_277, %swap3A_278, %swap3A_279] : memref<2x32x48x1024xf32, #tpu.memory_space<vmem>>, vector<1x1x48x1024xf32>
    %swap3A_281 = vector.shape_cast %swap3A_280 : vector<1x1x48x1024xf32> to vector<48x1024xf32>
    %swap3A_282 = vector.shape_cast %slice3A_275 : vector<48x1024xf32> to vector<1x1x48x1024xf32>
    tpu.vector_store %arg4[%swap3A_276, %swap3A_277, %swap3A_278, %swap3A_279], %swap3A_282 {strides = array<i32>} : memref<2x32x48x1024xf32, #tpu.memory_space<vmem>>, vector<1x1x48x1024xf32>,
    %slice3A_283 = vector.extract_strided_slice %dot_general3A_274 {offsets = [48, 0], sizes = [2, 1024], strides = [1, 1]} : vector<50x1024xf32> to vector<2x1024xf32>
    %swap3A_284 = arith.index_cast %rem3A_0 : i32 to index
    %swap3A_285 = arith.constant 14 : index
    %swap3A_286 = arith.constant 0 : index
    %swap3A_287 = arith.constant 0 : index
    %swap3A_288 = vector.load %arg5[%swap3A_284, %swap3A_285, %swap3A_286, %swap3A_287] : memref<2x32x2x1024xf32, #tpu.memory_space<vmem>>, vector<1x1x2x1024xf32>
    %swap3A_289 = vector.shape_cast %swap3A_288 : vector<1x1x2x1024xf32> to vector<2x1024xf32>
    %swap3A_290 = vector.shape_cast %slice3A_283 : vector<2x1024xf32> to vector<1x1x2x1024xf32>
    tpu.vector_store %arg5[%swap3A_284, %swap3A_285, %swap3A_286, %swap3A_287], %swap3A_290 {strides = array<i32>} : memref<2x32x2x1024xf32, #tpu.memory_space<vmem>>, vector<1x1x2x1024xf32>,
    %slice3A_291 = vector.extract_strided_slice %convert_element_type3A_8 {offsets = [750, 0], sizes = [50, 128], strides = [1, 1]} : vector<1600x128xbf16> to vector<50x128xbf16>
    %dot_general3A_292 = arith.constant dense<0.000000e+00> : vector<50x1024xf32>
    %dot_general3A_293 = tpu.matmul %slice3A_291, %get3A_4, %dot_general3A_292 {dimension_numbers = #tpu.dot_dimension_numbers<[1], [0], [0], [1], [0, 0, 1, 1], [], []>, transpose_lhs_hint = false} : vector<50x128xbf16>, vector<128x1024xbf16>, vector<50x1024xf32> -> vector<50x1024xf32>
    %slice3A_294 = vector.extract_strided_slice %dot_general3A_293 {offsets = [0, 0], sizes = [48, 1024], strides = [1, 1]} : vector<50x1024xf32> to vector<48x1024xf32>
    %swap3A_295 = arith.index_cast %rem3A_0 : i32 to index
    %swap3A_296 = arith.constant 15 : index
    %swap3A_297 = arith.constant 0 : index
    %swap3A_298 = arith.constant 0 : index
    %swap3A_299 = vector.load %arg4[%swap3A_295, %swap3A_296, %swap3A_297, %swap3A_298] : memref<2x32x48x1024xf32, #tpu.memory_space<vmem>>, vector<1x1x48x1024xf32>
    %swap3A_300 = vector.shape_cast %swap3A_299 : vector<1x1x48x1024xf32> to vector<48x1024xf32>
    %swap3A_301 = vector.shape_cast %slice3A_294 : vector<48x1024xf32> to vector<1x1x48x1024xf32>
    tpu.vector_store %arg4[%swap3A_295, %swap3A_296, %swap3A_297, %swap3A_298], %swap3A_301 {strides = array<i32>} : memref<2x32x48x1024xf32, #tpu.memory_space<vmem>>, vector<1x1x48x1024xf32>,
    %slice3A_302 = vector.extract_strided_slice %dot_general3A_293 {offsets = [48, 0], sizes = [2, 1024], strides = [1, 1]} : vector<50x1024xf32> to vector<2x1024xf32>
    %swap3A_303 = arith.index_cast %rem3A_0 : i32 to index
    %swap3A_304 = arith.constant 15 : index
    %swap3A_305 = arith.constant 0 : index
    %swap3A_306 = arith.constant 0 : index
    %swap3A_307 = vector.load %arg5[%swap3A_303, %swap3A_304, %swap3A_305, %swap3A_306] : memref<2x32x2x1024xf32, #tpu.memory_space<vmem>>, vector<1x1x2x1024xf32>
    %swap3A_308 = vector.shape_cast %swap3A_307 : vector<1x1x2x1024xf32> to vector<2x1024xf32>
    %swap3A_309 = vector.shape_cast %slice3A_302 : vector<2x1024xf32> to vector<1x1x2x1024xf32>
    tpu.vector_store %arg5[%swap3A_303, %swap3A_304, %swap3A_305, %swap3A_306], %swap3A_309 {strides = array<i32>} : memref<2x32x2x1024xf32, #tpu.memory_space<vmem>>, vector<1x1x2x1024xf32>,
    %slice3A_310 = vector.extract_strided_slice %convert_element_type3A_8 {offsets = [800, 0], sizes = [50, 128], strides = [1, 1]} : vector<1600x128xbf16> to vector<50x128xbf16>
    %dot_general3A_311 = arith.constant dense<0.000000e+00> : vector<50x1024xf32>
    %dot_general3A_312 = tpu.matmul %slice3A_310, %get3A_4, %dot_general3A_311 {dimension_numbers = #tpu.dot_dimension_numbers<[1], [0], [0], [1], [0, 0, 1, 1], [], []>, transpose_lhs_hint = false} : vector<50x128xbf16>, vector<128x1024xbf16>, vector<50x1024xf32> -> vector<50x1024xf32>
    %slice3A_313 = vector.extract_strided_slice %dot_general3A_312 {offsets = [0, 0], sizes = [48, 1024], strides = [1, 1]} : vector<50x1024xf32> to vector<48x1024xf32>
    %swap3A_314 = arith.index_cast %rem3A_0 : i32 to index
    %swap3A_315 = arith.constant 16 : index
    %swap3A_316 = arith.constant 0 : index
    %swap3A_317 = arith.constant 0 : index
    %swap3A_318 = vector.load %arg4[%swap3A_314, %swap3A_315, %swap3A_316, %swap3A_317] : memref<2x32x48x1024xf32, #tpu.memory_space<vmem>>, vector<1x1x48x1024xf32>
    %swap3A_319 = vector.shape_cast %swap3A_318 : vector<1x1x48x1024xf32> to vector<48x1024xf32>
    %swap3A_320 = vector.shape_cast %slice3A_313 : vector<48x1024xf32> to vector<1x1x48x1024xf32>
    tpu.vector_store %arg4[%swap3A_314, %swap3A_315, %swap3A_316, %swap3A_317], %swap3A_320 {strides = array<i32>} : memref<2x32x48x1024xf32, #tpu.memory_space<vmem>>, vector<1x1x48x1024xf32>,
    %slice3A_321 = vector.extract_strided_slice %dot_general3A_312 {offsets = [48, 0], sizes = [2, 1024], strides = [1, 1]} : vector<50x1024xf32> to vector<2x1024xf32>
    %swap3A_322 = arith.index_cast %rem3A_0 : i32 to index
    %swap3A_323 = arith.constant 16 : index
    %swap3A_324 = arith.constant 0 : index
    %swap3A_325 = arith.constant 0 : index
    %swap3A_326 = vector.load %arg5[%swap3A_322, %swap3A_323, %swap3A_324, %swap3A_325] : memref<2x32x2x1024xf32, #tpu.memory_space<vmem>>, vector<1x1x2x1024xf32>
    %swap3A_327 = vector.shape_cast %swap3A_326 : vector<1x1x2x1024xf32> to vector<2x1024xf32>
    %swap3A_328 = vector.shape_cast %slice3A_321 : vector<2x1024xf32> to vector<1x1x2x1024xf32>
    tpu.vector_store %arg5[%swap3A_322, %swap3A_323, %swap3A_324, %swap3A_325], %swap3A_328 {strides = array<i32>} : memref<2x32x2x1024xf32, #tpu.memory_space<vmem>>, vector<1x1x2x1024xf32>,
    %slice3A_329 = vector.extract_strided_slice %convert_element_type3A_8 {offsets = [850, 0], sizes = [50, 128], strides = [1, 1]} : vector<1600x128xbf16> to vector<50x128xbf16>
    %dot_general3A_330 = arith.constant dense<0.000000e+00> : vector<50x1024xf32>
    %dot_general3A_331 = tpu.matmul %slice3A_329, %get3A_4, %dot_general3A_330 {dimension_numbers = #tpu.dot_dimension_numbers<[1], [0], [0], [1], [0, 0, 1, 1], [], []>, transpose_lhs_hint = false} : vector<50x128xbf16>, vector<128x1024xbf16>, vector<50x1024xf32> -> vector<50x1024xf32>
    %slice3A_332 = vector.extract_strided_slice %dot_general3A_331 {offsets = [0, 0], sizes = [48, 1024], strides = [1, 1]} : vector<50x1024xf32> to vector<48x1024xf32>
    %swap3A_333 = arith.index_cast %rem3A_0 : i32 to index
    %swap3A_334 = arith.constant 17 : index
    %swap3A_335 = arith.constant 0 : index
    %swap3A_336 = arith.constant 0 : index
    %swap3A_337 = vector.load %arg4[%swap3A_333, %swap3A_334, %swap3A_335, %swap3A_336] : memref<2x32x48x1024xf32, #tpu.memory_space<vmem>>, vector<1x1x48x1024xf32>
    %swap3A_338 = vector.shape_cast %swap3A_337 : vector<1x1x48x1024xf32> to vector<48x1024xf32>
    %swap3A_339 = vector.shape_cast %slice3A_332 : vector<48x1024xf32> to vector<1x1x48x1024xf32>
    tpu.vector_store %arg4[%swap3A_333, %swap3A_334, %swap3A_335, %swap3A_336], %swap3A_339 {strides = array<i32>} : memref<2x32x48x1024xf32, #tpu.memory_space<vmem>>, vector<1x1x48x1024xf32>,
    %slice3A_340 = vector.extract_strided_slice %dot_general3A_331 {offsets = [48, 0], sizes = [2, 1024], strides = [1, 1]} : vector<50x1024xf32> to vector<2x1024xf32>
    %swap3A_341 = arith.index_cast %rem3A_0 : i32 to index
    %swap3A_342 = arith.constant 17 : index
    %swap3A_343 = arith.constant 0 : index
    %swap3A_344 = arith.constant 0 : index
    %swap3A_345 = vector.load %arg5[%swap3A_341, %swap3A_342, %swap3A_343, %swap3A_344] : memref<2x32x2x1024xf32, #tpu.memory_space<vmem>>, vector<1x1x2x1024xf32>
    %swap3A_346 = vector.shape_cast %swap3A_345 : vector<1x1x2x1024xf32> to vector<2x1024xf32>
    %swap3A_347 = vector.shape_cast %slice3A_340 : vector<2x1024xf32> to vector<1x1x2x1024xf32>
    tpu.vector_store %arg5[%swap3A_341, %swap3A_342, %swap3A_343, %swap3A_344], %swap3A_347 {strides = array<i32>} : memref<2x32x2x1024xf32, #tpu.memory_space<vmem>>, vector<1x1x2x1024xf32>,
    %slice3A_348 = vector.extract_strided_slice %convert_element_type3A_8 {offsets = [900, 0], sizes = [50, 128], strides = [1, 1]} : vector<1600x128xbf16> to vector<50x128xbf16>
    %dot_general3A_349 = arith.constant dense<0.000000e+00> : vector<50x1024xf32>
    %dot_general3A_350 = tpu.matmul %slice3A_348, %get3A_4, %dot_general3A_349 {dimension_numbers = #tpu.dot_dimension_numbers<[1], [0], [0], [1], [0, 0, 1, 1], [], []>, transpose_lhs_hint = false} : vector<50x128xbf16>, vector<128x1024xbf16>, vector<50x1024xf32> -> vector<50x1024xf32>
    %slice3A_351 = vector.extract_strided_slice %dot_general3A_350 {offsets = [0, 0], sizes = [48, 1024], strides = [1, 1]} : vector<50x1024xf32> to vector<48x1024xf32>
    %swap3A_352 = arith.index_cast %rem3A_0 : i32 to index
    %swap3A_353 = arith.constant 18 : index
    %swap3A_354 = arith.constant 0 : index
    %swap3A_355 = arith.constant 0 : index
    %swap3A_356 = vector.load %arg4[%swap3A_352, %swap3A_353, %swap3A_354, %swap3A_355] : memref<2x32x48x1024xf32, #tpu.memory_space<vmem>>, vector<1x1x48x1024xf32>
    %swap3A_357 = vector.shape_cast %swap3A_356 : vector<1x1x48x1024xf32> to vector<48x1024xf32>
    %swap3A_358 = vector.shape_cast %slice3A_351 : vector<48x1024xf32> to vector<1x1x48x1024xf32>
    tpu.vector_store %arg4[%swap3A_352, %swap3A_353, %swap3A_354, %swap3A_355], %swap3A_358 {strides = array<i32>} : memref<2x32x48x1024xf32, #tpu.memory_space<vmem>>, vector<1x1x48x1024xf32>,
    %slice3A_359 = vector.extract_strided_slice %dot_general3A_350 {offsets = [48, 0], sizes = [2, 1024], strides = [1, 1]} : vector<50x1024xf32> to vector<2x1024xf32>
    %swap3A_360 = arith.index_cast %rem3A_0 : i32 to index
    %swap3A_361 = arith.constant 18 : index
    %swap3A_362 = arith.constant 0 : index
    %swap3A_363 = arith.constant 0 : index
    %swap3A_364 = vector.load %arg5[%swap3A_360, %swap3A_361, %swap3A_362, %swap3A_363] : memref<2x32x2x1024xf32, #tpu.memory_space<vmem>>, vector<1x1x2x1024xf32>
    %swap3A_365 = vector.shape_cast %swap3A_364 : vector<1x1x2x1024xf32> to vector<2x1024xf32>
    %swap3A_366 = vector.shape_cast %slice3A_359 : vector<2x1024xf32> to vector<1x1x2x1024xf32>
    tpu.vector_store %arg5[%swap3A_360, %swap3A_361, %swap3A_362, %swap3A_363], %swap3A_366 {strides = array<i32>} : memref<2x32x2x1024xf32, #tpu.memory_space<vmem>>, vector<1x1x2x1024xf32>,
    %slice3A_367 = vector.extract_strided_slice %convert_element_type3A_8 {offsets = [950, 0], sizes = [50, 128], strides = [1, 1]} : vector<1600x128xbf16> to vector<50x128xbf16>
    %dot_general3A_368 = arith.constant dense<0.000000e+00> : vector<50x1024xf32>
    %dot_general3A_369 = tpu.matmul %slice3A_367, %get3A_4, %dot_general3A_368 {dimension_numbers = #tpu.dot_dimension_numbers<[1], [0], [0], [1], [0, 0, 1, 1], [], []>, transpose_lhs_hint = false} : vector<50x128xbf16>, vector<128x1024xbf16>, vector<50x1024xf32> -> vector<50x1024xf32>
    %slice3A_370 = vector.extract_strided_slice %dot_general3A_369 {offsets = [0, 0], sizes = [48, 1024], strides = [1, 1]} : vector<50x1024xf32> to vector<48x1024xf32>
    %swap3A_371 = arith.index_cast %rem3A_0 : i32 to index
    %swap3A_372 = arith.constant 19 : index
    %swap3A_373 = arith.constant 0 : index
    %swap3A_374 = arith.constant 0 : index
    %swap3A_375 = vector.load %arg4[%swap3A_371, %swap3A_372, %swap3A_373, %swap3A_374] : memref<2x32x48x1024xf32, #tpu.memory_space<vmem>>, vector<1x1x48x1024xf32>
    %swap3A_376 = vector.shape_cast %swap3A_375 : vector<1x1x48x1024xf32> to vector<48x1024xf32>
    %swap3A_377 = vector.shape_cast %slice3A_370 : vector<48x1024xf32> to vector<1x1x48x1024xf32>
    tpu.vector_store %arg4[%swap3A_371, %swap3A_372, %swap3A_373, %swap3A_374], %swap3A_377 {strides = array<i32>} : memref<2x32x48x1024xf32, #tpu.memory_space<vmem>>, vector<1x1x48x1024xf32>,
    %slice3A_378 = vector.extract_strided_slice %dot_general3A_369 {offsets = [48, 0], sizes = [2, 1024], strides = [1, 1]} : vector<50x1024xf32> to vector<2x1024xf32>
    %swap3A_379 = arith.index_cast %rem3A_0 : i32 to index
    %swap3A_380 = arith.constant 19 : index
    %swap3A_381 = arith.constant 0 : index
    %swap3A_382 = arith.constant 0 : index
    %swap3A_383 = vector.load %arg5[%swap3A_379, %swap3A_380, %swap3A_381, %swap3A_382] : memref<2x32x2x1024xf32, #tpu.memory_space<vmem>>, vector<1x1x2x1024xf32>
    %swap3A_384 = vector.shape_cast %swap3A_383 : vector<1x1x2x1024xf32> to vector<2x1024xf32>
    %swap3A_385 = vector.shape_cast %slice3A_378 : vector<2x1024xf32> to vector<1x1x2x1024xf32>
    tpu.vector_store %arg5[%swap3A_379, %swap3A_380, %swap3A_381, %swap3A_382], %swap3A_385 {strides = array<i32>} : memref<2x32x2x1024xf32, #tpu.memory_space<vmem>>, vector<1x1x2x1024xf32>,
    %slice3A_386 = vector.extract_strided_slice %convert_element_type3A_8 {offsets = [1000, 0], sizes = [50, 128], strides = [1, 1]} : vector<1600x128xbf16> to vector<50x128xbf16>
    %dot_general3A_387 = arith.constant dense<0.000000e+00> : vector<50x1024xf32>
    %dot_general3A_388 = tpu.matmul %slice3A_386, %get3A_4, %dot_general3A_387 {dimension_numbers = #tpu.dot_dimension_numbers<[1], [0], [0], [1], [0, 0, 1, 1], [], []>, transpose_lhs_hint = false} : vector<50x128xbf16>, vector<128x1024xbf16>, vector<50x1024xf32> -> vector<50x1024xf32>
    %slice3A_389 = vector.extract_strided_slice %dot_general3A_388 {offsets = [0, 0], sizes = [48, 1024], strides = [1, 1]} : vector<50x1024xf32> to vector<48x1024xf32>
    %swap3A_390 = arith.index_cast %rem3A_0 : i32 to index
    %swap3A_391 = arith.constant 20 : index
    %swap3A_392 = arith.constant 0 : index
    %swap3A_393 = arith.constant 0 : index
    %swap3A_394 = vector.load %arg4[%swap3A_390, %swap3A_391, %swap3A_392, %swap3A_393] : memref<2x32x48x1024xf32, #tpu.memory_space<vmem>>, vector<1x1x48x1024xf32>
    %swap3A_395 = vector.shape_cast %swap3A_394 : vector<1x1x48x1024xf32> to vector<48x1024xf32>
    %swap3A_396 = vector.shape_cast %slice3A_389 : vector<48x1024xf32> to vector<1x1x48x1024xf32>
    tpu.vector_store %arg4[%swap3A_390, %swap3A_391, %swap3A_392, %swap3A_393], %swap3A_396 {strides = array<i32>} : memref<2x32x48x1024xf32, #tpu.memory_space<vmem>>, vector<1x1x48x1024xf32>,
    %slice3A_397 = vector.extract_strided_slice %dot_general3A_388 {offsets = [48, 0], sizes = [2, 1024], strides = [1, 1]} : vector<50x1024xf32> to vector<2x1024xf32>
    %swap3A_398 = arith.index_cast %rem3A_0 : i32 to index
    %swap3A_399 = arith.constant 20 : index
    %swap3A_400 = arith.constant 0 : index
    %swap3A_401 = arith.constant 0 : index
    %swap3A_402 = vector.load %arg5[%swap3A_398, %swap3A_399, %swap3A_400, %swap3A_401] : memref<2x32x2x1024xf32, #tpu.memory_space<vmem>>, vector<1x1x2x1024xf32>
    %swap3A_403 = vector.shape_cast %swap3A_402 : vector<1x1x2x1024xf32> to vector<2x1024xf32>
    %swap3A_404 = vector.shape_cast %slice3A_397 : vector<2x1024xf32> to vector<1x1x2x1024xf32>
    tpu.vector_store %arg5[%swap3A_398, %swap3A_399, %swap3A_400, %swap3A_401], %swap3A_404 {strides = array<i32>} : memref<2x32x2x1024xf32, #tpu.memory_space<vmem>>, vector<1x1x2x1024xf32>,
    %slice3A_405 = vector.extract_strided_slice %convert_element_type3A_8 {offsets = [1050, 0], sizes = [50, 128], strides = [1, 1]} : vector<1600x128xbf16> to vector<50x128xbf16>
    %dot_general3A_406 = arith.constant dense<0.000000e+00> : vector<50x1024xf32>
    %dot_general3A_407 = tpu.matmul %slice3A_405, %get3A_4, %dot_general3A_406 {dimension_numbers = #tpu.dot_dimension_numbers<[1], [0], [0], [1], [0, 0, 1, 1], [], []>, transpose_lhs_hint = false} : vector<50x128xbf16>, vector<128x1024xbf16>, vector<50x1024xf32> -> vector<50x1024xf32>
    %slice3A_408 = vector.extract_strided_slice %dot_general3A_407 {offsets = [0, 0], sizes = [48, 1024], strides = [1, 1]} : vector<50x1024xf32> to vector<48x1024xf32>
    %swap3A_409 = arith.index_cast %rem3A_0 : i32 to index
    %swap3A_410 = arith.constant 21 : index
    %swap3A_411 = arith.constant 0 : index
    %swap3A_412 = arith.constant 0 : index
    %swap3A_413 = vector.load %arg4[%swap3A_409, %swap3A_410, %swap3A_411, %swap3A_412] : memref<2x32x48x1024xf32, #tpu.memory_space<vmem>>, vector<1x1x48x1024xf32>
    %swap3A_414 = vector.shape_cast %swap3A_413 : vector<1x1x48x1024xf32> to vector<48x1024xf32>
    %swap3A_415 = vector.shape_cast %slice3A_408 : vector<48x1024xf32> to vector<1x1x48x1024xf32>
    tpu.vector_store %arg4[%swap3A_409, %swap3A_410, %swap3A_411, %swap3A_412], %swap3A_415 {strides = array<i32>} : memref<2x32x48x1024xf32, #tpu.memory_space<vmem>>, vector<1x1x48x1024xf32>,
    %slice3A_416 = vector.extract_strided_slice %dot_general3A_407 {offsets = [48, 0], sizes = [2, 1024], strides = [1, 1]} : vector<50x1024xf32> to vector<2x1024xf32>
    %swap3A_417 = arith.index_cast %rem3A_0 : i32 to index
    %swap3A_418 = arith.constant 21 : index
    %swap3A_419 = arith.constant 0 : index
    %swap3A_420 = arith.constant 0 : index
    %swap3A_421 = vector.load %arg5[%swap3A_417, %swap3A_418, %swap3A_419, %swap3A_420] : memref<2x32x2x1024xf32, #tpu.memory_space<vmem>>, vector<1x1x2x1024xf32>
    %swap3A_422 = vector.shape_cast %swap3A_421 : vector<1x1x2x1024xf32> to vector<2x1024xf32>
    %swap3A_423 = vector.shape_cast %slice3A_416 : vector<2x1024xf32> to vector<1x1x2x1024xf32>
    tpu.vector_store %arg5[%swap3A_417, %swap3A_418, %swap3A_419, %swap3A_420], %swap3A_423 {strides = array<i32>} : memref<2x32x2x1024xf32, #tpu.memory_space<vmem>>, vector<1x1x2x1024xf32>,
    %slice3A_424 = vector.extract_strided_slice %convert_element_type3A_8 {offsets = [1100, 0], sizes = [50, 128], strides = [1, 1]} : vector<1600x128xbf16> to vector<50x128xbf16>
    %dot_general3A_425 = arith.constant dense<0.000000e+00> : vector<50x1024xf32>
    %dot_general3A_426 = tpu.matmul %slice3A_424, %get3A_4, %dot_general3A_425 {dimension_numbers = #tpu.dot_dimension_numbers<[1], [0], [0], [1], [0, 0, 1, 1], [], []>, transpose_lhs_hint = false} : vector<50x128xbf16>, vector<128x1024xbf16>, vector<50x1024xf32> -> vector<50x1024xf32>
    %slice3A_427 = vector.extract_strided_slice %dot_general3A_426 {offsets = [0, 0], sizes = [48, 1024], strides = [1, 1]} : vector<50x1024xf32> to vector<48x1024xf32>
    %swap3A_428 = arith.index_cast %rem3A_0 : i32 to index
    %swap3A_429 = arith.constant 22 : index
    %swap3A_430 = arith.constant 0 : index
    %swap3A_431 = arith.constant 0 : index
    %swap3A_432 = vector.load %arg4[%swap3A_428, %swap3A_429, %swap3A_430, %swap3A_431] : memref<2x32x48x1024xf32, #tpu.memory_space<vmem>>, vector<1x1x48x1024xf32>
    %swap3A_433 = vector.shape_cast %swap3A_432 : vector<1x1x48x1024xf32> to vector<48x1024xf32>
    %swap3A_434 = vector.shape_cast %slice3A_427 : vector<48x1024xf32> to vector<1x1x48x1024xf32>
    tpu.vector_store %arg4[%swap3A_428, %swap3A_429, %swap3A_430, %swap3A_431], %swap3A_434 {strides = array<i32>} : memref<2x32x48x1024xf32, #tpu.memory_space<vmem>>, vector<1x1x48x1024xf32>,
    %slice3A_435 = vector.extract_strided_slice %dot_general3A_426 {offsets = [48, 0], sizes = [2, 1024], strides = [1, 1]} : vector<50x1024xf32> to vector<2x1024xf32>
    %swap3A_436 = arith.index_cast %rem3A_0 : i32 to index
    %swap3A_437 = arith.constant 22 : index
    %swap3A_438 = arith.constant 0 : index
    %swap3A_439 = arith.constant 0 : index
    %swap3A_440 = vector.load %arg5[%swap3A_436, %swap3A_437, %swap3A_438, %swap3A_439] : memref<2x32x2x1024xf32, #tpu.memory_space<vmem>>, vector<1x1x2x1024xf32>
    %swap3A_441 = vector.shape_cast %swap3A_440 : vector<1x1x2x1024xf32> to vector<2x1024xf32>
    %swap3A_442 = vector.shape_cast %slice3A_435 : vector<2x1024xf32> to vector<1x1x2x1024xf32>
    tpu.vector_store %arg5[%swap3A_436, %swap3A_437, %swap3A_438, %swap3A_439], %swap3A_442 {strides = array<i32>} : memref<2x32x2x1024xf32, #tpu.memory_space<vmem>>, vector<1x1x2x1024xf32>,
    %slice3A_443 = vector.extract_strided_slice %convert_element_type3A_8 {offsets = [1150, 0], sizes = [50, 128], strides = [1, 1]} : vector<1600x128xbf16> to vector<50x128xbf16>
    %dot_general3A_444 = arith.constant dense<0.000000e+00> : vector<50x1024xf32>
    %dot_general3A_445 = tpu.matmul %slice3A_443, %get3A_4, %dot_general3A_444 {dimension_numbers = #tpu.dot_dimension_numbers<[1], [0], [0], [1], [0, 0, 1, 1], [], []>, transpose_lhs_hint = false} : vector<50x128xbf16>, vector<128x1024xbf16>, vector<50x1024xf32> -> vector<50x1024xf32>
    %slice3A_446 = vector.extract_strided_slice %dot_general3A_445 {offsets = [0, 0], sizes = [48, 1024], strides = [1, 1]} : vector<50x1024xf32> to vector<48x1024xf32>
    %swap3A_447 = arith.index_cast %rem3A_0 : i32 to index
    %swap3A_448 = arith.constant 23 : index
    %swap3A_449 = arith.constant 0 : index
    %swap3A_450 = arith.constant 0 : index
    %swap3A_451 = vector.load %arg4[%swap3A_447, %swap3A_448, %swap3A_449, %swap3A_450] : memref<2x32x48x1024xf32, #tpu.memory_space<vmem>>, vector<1x1x48x1024xf32>
    %swap3A_452 = vector.shape_cast %swap3A_451 : vector<1x1x48x1024xf32> to vector<48x1024xf32>
    %swap3A_453 = vector.shape_cast %slice3A_446 : vector<48x1024xf32> to vector<1x1x48x1024xf32>
    tpu.vector_store %arg4[%swap3A_447, %swap3A_448, %swap3A_449, %swap3A_450], %swap3A_453 {strides = array<i32>} : memref<2x32x48x1024xf32, #tpu.memory_space<vmem>>, vector<1x1x48x1024xf32>,
    %slice3A_454 = vector.extract_strided_slice %dot_general3A_445 {offsets = [48, 0], sizes = [2, 1024], strides = [1, 1]} : vector<50x1024xf32> to vector<2x1024xf32>
    %swap3A_455 = arith.index_cast %rem3A_0 : i32 to index
    %swap3A_456 = arith.constant 23 : index
    %swap3A_457 = arith.constant 0 : index
    %swap3A_458 = arith.constant 0 : index
    %swap3A_459 = vector.load %arg5[%swap3A_455, %swap3A_456, %swap3A_457, %swap3A_458] : memref<2x32x2x1024xf32, #tpu.memory_space<vmem>>, vector<1x1x2x1024xf32>
    %swap3A_460 = vector.shape_cast %swap3A_459 : vector<1x1x2x1024xf32> to vector<2x1024xf32>
    %swap3A_461 = vector.shape_cast %slice3A_454 : vector<2x1024xf32> to vector<1x1x2x1024xf32>
    tpu.vector_store %arg5[%swap3A_455, %swap3A_456, %swap3A_457, %swap3A_458], %swap3A_461 {strides = array<i32>} : memref<2x32x2x1024xf32, #tpu.memory_space<vmem>>, vector<1x1x2x1024xf32>,
    %slice3A_462 = vector.extract_strided_slice %convert_element_type3A_8 {offsets = [1200, 0], sizes = [50, 128], strides = [1, 1]} : vector<1600x128xbf16> to vector<50x128xbf16>
    %dot_general3A_463 = arith.constant dense<0.000000e+00> : vector<50x1024xf32>
    %dot_general3A_464 = tpu.matmul %slice3A_462, %get3A_4, %dot_general3A_463 {dimension_numbers = #tpu.dot_dimension_numbers<[1], [0], [0], [1], [0, 0, 1, 1], [], []>, transpose_lhs_hint = false} : vector<50x128xbf16>, vector<128x1024xbf16>, vector<50x1024xf32> -> vector<50x1024xf32>
    %slice3A_465 = vector.extract_strided_slice %dot_general3A_464 {offsets = [0, 0], sizes = [48, 1024], strides = [1, 1]} : vector<50x1024xf32> to vector<48x1024xf32>
    %swap3A_466 = arith.index_cast %rem3A_0 : i32 to index
    %swap3A_467 = arith.constant 24 : index
    %swap3A_468 = arith.constant 0 : index
    %swap3A_469 = arith.constant 0 : index
    %swap3A_470 = vector.load %arg4[%swap3A_466, %swap3A_467, %swap3A_468, %swap3A_469] : memref<2x32x48x1024xf32, #tpu.memory_space<vmem>>, vector<1x1x48x1024xf32>
    %swap3A_471 = vector.shape_cast %swap3A_470 : vector<1x1x48x1024xf32> to vector<48x1024xf32>
    %swap3A_472 = vector.shape_cast %slice3A_465 : vector<48x1024xf32> to vector<1x1x48x1024xf32>
    tpu.vector_store %arg4[%swap3A_466, %swap3A_467, %swap3A_468, %swap3A_469], %swap3A_472 {strides = array<i32>} : memref<2x32x48x1024xf32, #tpu.memory_space<vmem>>, vector<1x1x48x1024xf32>,
    %slice3A_473 = vector.extract_strided_slice %dot_general3A_464 {offsets = [48, 0], sizes = [2, 1024], strides = [1, 1]} : vector<50x1024xf32> to vector<2x1024xf32>
    %swap3A_474 = arith.index_cast %rem3A_0 : i32 to index
    %swap3A_475 = arith.constant 24 : index
    %swap3A_476 = arith.constant 0 : index
    %swap3A_477 = arith.constant 0 : index
    %swap3A_478 = vector.load %arg5[%swap3A_474, %swap3A_475, %swap3A_476, %swap3A_477] : memref<2x32x2x1024xf32, #tpu.memory_space<vmem>>, vector<1x1x2x1024xf32>
    %swap3A_479 = vector.shape_cast %swap3A_478 : vector<1x1x2x1024xf32> to vector<2x1024xf32>
    %swap3A_480 = vector.shape_cast %slice3A_473 : vector<2x1024xf32> to vector<1x1x2x1024xf32>
    tpu.vector_store %arg5[%swap3A_474, %swap3A_475, %swap3A_476, %swap3A_477], %swap3A_480 {strides = array<i32>} : memref<2x32x2x1024xf32, #tpu.memory_space<vmem>>, vector<1x1x2x1024xf32>,
    %slice3A_481 = vector.extract_strided_slice %convert_element_type3A_8 {offsets = [1250, 0], sizes = [50, 128], strides = [1, 1]} : vector<1600x128xbf16> to vector<50x128xbf16>
    %dot_general3A_482 = arith.constant dense<0.000000e+00> : vector<50x1024xf32>
    %dot_general3A_483 = tpu.matmul %slice3A_481, %get3A_4, %dot_general3A_482 {dimension_numbers = #tpu.dot_dimension_numbers<[1], [0], [0], [1], [0, 0, 1, 1], [], []>, transpose_lhs_hint = false} : vector<50x128xbf16>, vector<128x1024xbf16>, vector<50x1024xf32> -> vector<50x1024xf32>
    %slice3A_484 = vector.extract_strided_slice %dot_general3A_483 {offsets = [0, 0], sizes = [48, 1024], strides = [1, 1]} : vector<50x1024xf32> to vector<48x1024xf32>
    %swap3A_485 = arith.index_cast %rem3A_0 : i32 to index
    %swap3A_486 = arith.constant 25 : index
    %swap3A_487 = arith.constant 0 : index
    %swap3A_488 = arith.constant 0 : index
    %swap3A_489 = vector.load %arg4[%swap3A_485, %swap3A_486, %swap3A_487, %swap3A_488] : memref<2x32x48x1024xf32, #tpu.memory_space<vmem>>, vector<1x1x48x1024xf32>
    %swap3A_490 = vector.shape_cast %swap3A_489 : vector<1x1x48x1024xf32> to vector<48x1024xf32>
    %swap3A_491 = vector.shape_cast %slice3A_484 : vector<48x1024xf32> to vector<1x1x48x1024xf32>
    tpu.vector_store %arg4[%swap3A_485, %swap3A_486, %swap3A_487, %swap3A_488], %swap3A_491 {strides = array<i32>} : memref<2x32x48x1024xf32, #tpu.memory_space<vmem>>, vector<1x1x48x1024xf32>,
    %slice3A_492 = vector.extract_strided_slice %dot_general3A_483 {offsets = [48, 0], sizes = [2, 1024], strides = [1, 1]} : vector<50x1024xf32> to vector<2x1024xf32>
    %swap3A_493 = arith.index_cast %rem3A_0 : i32 to index
    %swap3A_494 = arith.constant 25 : index
    %swap3A_495 = arith.constant 0 : index
    %swap3A_496 = arith.constant 0 : index
    %swap3A_497 = vector.load %arg5[%swap3A_493, %swap3A_494, %swap3A_495, %swap3A_496] : memref<2x32x2x1024xf32, #tpu.memory_space<vmem>>, vector<1x1x2x1024xf32>
    %swap3A_498 = vector.shape_cast %swap3A_497 : vector<1x1x2x1024xf32> to vector<2x1024xf32>
    %swap3A_499 = vector.shape_cast %slice3A_492 : vector<2x1024xf32> to vector<1x1x2x1024xf32>
    tpu.vector_store %arg5[%swap3A_493, %swap3A_494, %swap3A_495, %swap3A_496], %swap3A_499 {strides = array<i32>} : memref<2x32x2x1024xf32, #tpu.memory_space<vmem>>, vector<1x1x2x1024xf32>,
    %slice3A_500 = vector.extract_strided_slice %convert_element_type3A_8 {offsets = [1300, 0], sizes = [50, 128], strides = [1, 1]} : vector<1600x128xbf16> to vector<50x128xbf16>
    %dot_general3A_501 = arith.constant dense<0.000000e+00> : vector<50x1024xf32>
    %dot_general3A_502 = tpu.matmul %slice3A_500, %get3A_4, %dot_general3A_501 {dimension_numbers = #tpu.dot_dimension_numbers<[1], [0], [0], [1], [0, 0, 1, 1], [], []>, transpose_lhs_hint = false} : vector<50x128xbf16>, vector<128x1024xbf16>, vector<50x1024xf32> -> vector<50x1024xf32>
    %slice3A_503 = vector.extract_strided_slice %dot_general3A_502 {offsets = [0, 0], sizes = [48, 1024], strides = [1, 1]} : vector<50x1024xf32> to vector<48x1024xf32>
    %swap3A_504 = arith.index_cast %rem3A_0 : i32 to index
    %swap3A_505 = arith.constant 26 : index
    %swap3A_506 = arith.constant 0 : index
    %swap3A_507 = arith.constant 0 : index
    %swap3A_508 = vector.load %arg4[%swap3A_504, %swap3A_505, %swap3A_506, %swap3A_507] : memref<2x32x48x1024xf32, #tpu.memory_space<vmem>>, vector<1x1x48x1024xf32>
    %swap3A_509 = vector.shape_cast %swap3A_508 : vector<1x1x48x1024xf32> to vector<48x1024xf32>
    %swap3A_510 = vector.shape_cast %slice3A_503 : vector<48x1024xf32> to vector<1x1x48x1024xf32>
    tpu.vector_store %arg4[%swap3A_504, %swap3A_505, %swap3A_506, %swap3A_507], %swap3A_510 {strides = array<i32>} : memref<2x32x48x1024xf32, #tpu.memory_space<vmem>>, vector<1x1x48x1024xf32>,
    %slice3A_511 = vector.extract_strided_slice %dot_general3A_502 {offsets = [48, 0], sizes = [2, 1024], strides = [1, 1]} : vector<50x1024xf32> to vector<2x1024xf32>
    %swap3A_512 = arith.index_cast %rem3A_0 : i32 to index
    %swap3A_513 = arith.constant 26 : index
    %swap3A_514 = arith.constant 0 : index
    %swap3A_515 = arith.constant 0 : index
    %swap3A_516 = vector.load %arg5[%swap3A_512, %swap3A_513, %swap3A_514, %swap3A_515] : memref<2x32x2x1024xf32, #tpu.memory_space<vmem>>, vector<1x1x2x1024xf32>
    %swap3A_517 = vector.shape_cast %swap3A_516 : vector<1x1x2x1024xf32> to vector<2x1024xf32>
    %swap3A_518 = vector.shape_cast %slice3A_511 : vector<2x1024xf32> to vector<1x1x2x1024xf32>
    tpu.vector_store %arg5[%swap3A_512, %swap3A_513, %swap3A_514, %swap3A_515], %swap3A_518 {strides = array<i32>} : memref<2x32x2x1024xf32, #tpu.memory_space<vmem>>, vector<1x1x2x1024xf32>,
    %slice3A_519 = vector.extract_strided_slice %convert_element_type3A_8 {offsets = [1350, 0], sizes = [50, 128], strides = [1, 1]} : vector<1600x128xbf16> to vector<50x128xbf16>
    %dot_general3A_520 = arith.constant dense<0.000000e+00> : vector<50x1024xf32>
    %dot_general3A_521 = tpu.matmul %slice3A_519, %get3A_4, %dot_general3A_520 {dimension_numbers = #tpu.dot_dimension_numbers<[1], [0], [0], [1], [0, 0, 1, 1], [], []>, transpose_lhs_hint = false} : vector<50x128xbf16>, vector<128x1024xbf16>, vector<50x1024xf32> -> vector<50x1024xf32>
    %slice3A_522 = vector.extract_strided_slice %dot_general3A_521 {offsets = [0, 0], sizes = [48, 1024], strides = [1, 1]} : vector<50x1024xf32> to vector<48x1024xf32>
    %swap3A_523 = arith.index_cast %rem3A_0 : i32 to index
    %swap3A_524 = arith.constant 27 : index
    %swap3A_525 = arith.constant 0 : index
    %swap3A_526 = arith.constant 0 : index
    %swap3A_527 = vector.load %arg4[%swap3A_523, %swap3A_524, %swap3A_525, %swap3A_526] : memref<2x32x48x1024xf32, #tpu.memory_space<vmem>>, vector<1x1x48x1024xf32>
    %swap3A_528 = vector.shape_cast %swap3A_527 : vector<1x1x48x1024xf32> to vector<48x1024xf32>
    %swap3A_529 = vector.shape_cast %slice3A_522 : vector<48x1024xf32> to vector<1x1x48x1024xf32>
    tpu.vector_store %arg4[%swap3A_523, %swap3A_524, %swap3A_525, %swap3A_526], %swap3A_529 {strides = array<i32>} : memref<2x32x48x1024xf32, #tpu.memory_space<vmem>>, vector<1x1x48x1024xf32>,
    %slice3A_530 = vector.extract_strided_slice %dot_general3A_521 {offsets = [48, 0], sizes = [2, 1024], strides = [1, 1]} : vector<50x1024xf32> to vector<2x1024xf32>
    %swap3A_531 = arith.index_cast %rem3A_0 : i32 to index
    %swap3A_532 = arith.constant 27 : index
    %swap3A_533 = arith.constant 0 : index
    %swap3A_534 = arith.constant 0 : index
    %swap3A_535 = vector.load %arg5[%swap3A_531, %swap3A_532, %swap3A_533, %swap3A_534] : memref<2x32x2x1024xf32, #tpu.memory_space<vmem>>, vector<1x1x2x1024xf32>
    %swap3A_536 = vector.shape_cast %swap3A_535 : vector<1x1x2x1024xf32> to vector<2x1024xf32>
    %swap3A_537 = vector.shape_cast %slice3A_530 : vector<2x1024xf32> to vector<1x1x2x1024xf32>
    tpu.vector_store %arg5[%swap3A_531, %swap3A_532, %swap3A_533, %swap3A_534], %swap3A_537 {strides = array<i32>} : memref<2x32x2x1024xf32, #tpu.memory_space<vmem>>, vector<1x1x2x1024xf32>,
    %slice3A_538 = vector.extract_strided_slice %convert_element_type3A_8 {offsets = [1400, 0], sizes = [50, 128], strides = [1, 1]} : vector<1600x128xbf16> to vector<50x128xbf16>
    %dot_general3A_539 = arith.constant dense<0.000000e+00> : vector<50x1024xf32>
    %dot_general3A_540 = tpu.matmul %slice3A_538, %get3A_4, %dot_general3A_539 {dimension_numbers = #tpu.dot_dimension_numbers<[1], [0], [0], [1], [0, 0, 1, 1], [], []>, transpose_lhs_hint = false} : vector<50x128xbf16>, vector<128x1024xbf16>, vector<50x1024xf32> -> vector<50x1024xf32>
    %slice3A_541 = vector.extract_strided_slice %dot_general3A_540 {offsets = [0, 0], sizes = [48, 1024], strides = [1, 1]} : vector<50x1024xf32> to vector<48x1024xf32>
    %swap3A_542 = arith.index_cast %rem3A_0 : i32 to index
    %swap3A_543 = arith.constant 28 : index
    %swap3A_544 = arith.constant 0 : index
    %swap3A_545 = arith.constant 0 : index
    %swap3A_546 = vector.load %arg4[%swap3A_542, %swap3A_543, %swap3A_544, %swap3A_545] : memref<2x32x48x1024xf32, #tpu.memory_space<vmem>>, vector<1x1x48x1024xf32>
    %swap3A_547 = vector.shape_cast %swap3A_546 : vector<1x1x48x1024xf32> to vector<48x1024xf32>
    %swap3A_548 = vector.shape_cast %slice3A_541 : vector<48x1024xf32> to vector<1x1x48x1024xf32>
    tpu.vector_store %arg4[%swap3A_542, %swap3A_543, %swap3A_544, %swap3A_545], %swap3A_548 {strides = array<i32>} : memref<2x32x48x1024xf32, #tpu.memory_space<vmem>>, vector<1x1x48x1024xf32>,
    %slice3A_549 = vector.extract_strided_slice %dot_general3A_540 {offsets = [48, 0], sizes = [2, 1024], strides = [1, 1]} : vector<50x1024xf32> to vector<2x1024xf32>
    %swap3A_550 = arith.index_cast %rem3A_0 : i32 to index
    %swap3A_551 = arith.constant 28 : index
    %swap3A_552 = arith.constant 0 : index
    %swap3A_553 = arith.constant 0 : index
    %swap3A_554 = vector.load %arg5[%swap3A_550, %swap3A_551, %swap3A_552, %swap3A_553] : memref<2x32x2x1024xf32, #tpu.memory_space<vmem>>, vector<1x1x2x1024xf32>
    %swap3A_555 = vector.shape_cast %swap3A_554 : vector<1x1x2x1024xf32> to vector<2x1024xf32>
    %swap3A_556 = vector.shape_cast %slice3A_549 : vector<2x1024xf32> to vector<1x1x2x1024xf32>
    tpu.vector_store %arg5[%swap3A_550, %swap3A_551, %swap3A_552, %swap3A_553], %swap3A_556 {strides = array<i32>} : memref<2x32x2x1024xf32, #tpu.memory_space<vmem>>, vector<1x1x2x1024xf32>,
    %slice3A_557 = vector.extract_strided_slice %convert_element_type3A_8 {offsets = [1450, 0], sizes = [50, 128], strides = [1, 1]} : vector<1600x128xbf16> to vector<50x128xbf16>
    %dot_general3A_558 = arith.constant dense<0.000000e+00> : vector<50x1024xf32>
    %dot_general3A_559 = tpu.matmul %slice3A_557, %get3A_4, %dot_general3A_558 {dimension_numbers = #tpu.dot_dimension_numbers<[1], [0], [0], [1], [0, 0, 1, 1], [], []>, transpose_lhs_hint = false} : vector<50x128xbf16>, vector<128x1024xbf16>, vector<50x1024xf32> -> vector<50x1024xf32>
    %slice3A_560 = vector.extract_strided_slice %dot_general3A_559 {offsets = [0, 0], sizes = [48, 1024], strides = [1, 1]} : vector<50x1024xf32> to vector<48x1024xf32>
    %swap3A_561 = arith.index_cast %rem3A_0 : i32 to index
    %swap3A_562 = arith.constant 29 : index
    %swap3A_563 = arith.constant 0 : index
    %swap3A_564 = arith.constant 0 : index
    %swap3A_565 = vector.load %arg4[%swap3A_561, %swap3A_562, %swap3A_563, %swap3A_564] : memref<2x32x48x1024xf32, #tpu.memory_space<vmem>>, vector<1x1x48x1024xf32>
    %swap3A_566 = vector.shape_cast %swap3A_565 : vector<1x1x48x1024xf32> to vector<48x1024xf32>
    %swap3A_567 = vector.shape_cast %slice3A_560 : vector<48x1024xf32> to vector<1x1x48x1024xf32>
    tpu.vector_store %arg4[%swap3A_561, %swap3A_562, %swap3A_563, %swap3A_564], %swap3A_567 {strides = array<i32>} : memref<2x32x48x1024xf32, #tpu.memory_space<vmem>>, vector<1x1x48x1024xf32>,
    %slice3A_568 = vector.extract_strided_slice %dot_general3A_559 {offsets = [48, 0], sizes = [2, 1024], strides = [1, 1]} : vector<50x1024xf32> to vector<2x1024xf32>
    %swap3A_569 = arith.index_cast %rem3A_0 : i32 to index
    %swap3A_570 = arith.constant 29 : index
    %swap3A_571 = arith.constant 0 : index
    %swap3A_572 = arith.constant 0 : index
    %swap3A_573 = vector.load %arg5[%swap3A_569, %swap3A_570, %swap3A_571, %swap3A_572] : memref<2x32x2x1024xf32, #tpu.memory_space<vmem>>, vector<1x1x2x1024xf32>
    %swap3A_574 = vector.shape_cast %swap3A_573 : vector<1x1x2x1024xf32> to vector<2x1024xf32>
    %swap3A_575 = vector.shape_cast %slice3A_568 : vector<2x1024xf32> to vector<1x1x2x1024xf32>
    tpu.vector_store %arg5[%swap3A_569, %swap3A_570, %swap3A_571, %swap3A_572], %swap3A_575 {strides = array<i32>} : memref<2x32x2x1024xf32, #tpu.memory_space<vmem>>, vector<1x1x2x1024xf32>,
    %slice3A_576 = vector.extract_strided_slice %convert_element_type3A_8 {offsets = [1500, 0], sizes = [50, 128], strides = [1, 1]} : vector<1600x128xbf16> to vector<50x128xbf16>
    %dot_general3A_577 = arith.constant dense<0.000000e+00> : vector<50x1024xf32>
    %dot_general3A_578 = tpu.matmul %slice3A_576, %get3A_4, %dot_general3A_577 {dimension_numbers = #tpu.dot_dimension_numbers<[1], [0], [0], [1], [0, 0, 1, 1], [], []>, transpose_lhs_hint = false} : vector<50x128xbf16>, vector<128x1024xbf16>, vector<50x1024xf32> -> vector<50x1024xf32>
    %slice3A_579 = vector.extract_strided_slice %dot_general3A_578 {offsets = [0, 0], sizes = [48, 1024], strides = [1, 1]} : vector<50x1024xf32> to vector<48x1024xf32>
    %swap3A_580 = arith.index_cast %rem3A_0 : i32 to index
    %swap3A_581 = arith.constant 30 : index
    %swap3A_582 = arith.constant 0 : index
    %swap3A_583 = arith.constant 0 : index
    %swap3A_584 = vector.load %arg4[%swap3A_580, %swap3A_581, %swap3A_582, %swap3A_583] : memref<2x32x48x1024xf32, #tpu.memory_space<vmem>>, vector<1x1x48x1024xf32>
    %swap3A_585 = vector.shape_cast %swap3A_584 : vector<1x1x48x1024xf32> to vector<48x1024xf32>
    %swap3A_586 = vector.shape_cast %slice3A_579 : vector<48x1024xf32> to vector<1x1x48x1024xf32>
    tpu.vector_store %arg4[%swap3A_580, %swap3A_581, %swap3A_582, %swap3A_583], %swap3A_586 {strides = array<i32>} : memref<2x32x48x1024xf32, #tpu.memory_space<vmem>>, vector<1x1x48x1024xf32>,
    %slice3A_587 = vector.extract_strided_slice %dot_general3A_578 {offsets = [48, 0], sizes = [2, 1024], strides = [1, 1]} : vector<50x1024xf32> to vector<2x1024xf32>
    %swap3A_588 = arith.index_cast %rem3A_0 : i32 to index
    %swap3A_589 = arith.constant 30 : index
    %swap3A_590 = arith.constant 0 : index
    %swap3A_591 = arith.constant 0 : index
    %swap3A_592 = vector.load %arg5[%swap3A_588, %swap3A_589, %swap3A_590, %swap3A_591] : memref<2x32x2x1024xf32, #tpu.memory_space<vmem>>, vector<1x1x2x1024xf32>
    %swap3A_593 = vector.shape_cast %swap3A_592 : vector<1x1x2x1024xf32> to vector<2x1024xf32>
    %swap3A_594 = vector.shape_cast %slice3A_587 : vector<2x1024xf32> to vector<1x1x2x1024xf32>
    tpu.vector_store %arg5[%swap3A_588, %swap3A_589, %swap3A_590, %swap3A_591], %swap3A_594 {strides = array<i32>} : memref<2x32x2x1024xf32, #tpu.memory_space<vmem>>, vector<1x1x2x1024xf32>,
    %slice3A_595 = vector.extract_strided_slice %convert_element_type3A_8 {offsets = [1550, 0], sizes = [50, 128], strides = [1, 1]} : vector<1600x128xbf16> to vector<50x128xbf16>
    %dot_general3A_596 = arith.constant dense<0.000000e+00> : vector<50x1024xf32>
    %dot_general3A_597 = tpu.matmul %slice3A_595, %get3A_4, %dot_general3A_596 {dimension_numbers = #tpu.dot_dimension_numbers<[1], [0], [0], [1], [0, 0, 1, 1], [], []>, transpose_lhs_hint = false} : vector<50x128xbf16>, vector<128x1024xbf16>, vector<50x1024xf32> -> vector<50x1024xf32>
    %slice3A_598 = vector.extract_strided_slice %dot_general3A_597 {offsets = [0, 0], sizes = [48, 1024], strides = [1, 1]} : vector<50x1024xf32> to vector<48x1024xf32>
    %swap3A_599 = arith.index_cast %rem3A_0 : i32 to index
    %swap3A_600 = arith.constant 31 : index
    %swap3A_601 = arith.constant 0 : index
    %swap3A_602 = arith.constant 0 : index
    %swap3A_603 = vector.load %arg4[%swap3A_599, %swap3A_600, %swap3A_601, %swap3A_602] : memref<2x32x48x1024xf32, #tpu.memory_space<vmem>>, vector<1x1x48x1024xf32>
    %swap3A_604 = vector.shape_cast %swap3A_603 : vector<1x1x48x1024xf32> to vector<48x1024xf32>
    %swap3A_605 = vector.shape_cast %slice3A_598 : vector<48x1024xf32> to vector<1x1x48x1024xf32>
    tpu.vector_store %arg4[%swap3A_599, %swap3A_600, %swap3A_601, %swap3A_602], %swap3A_605 {strides = array<i32>} : memref<2x32x48x1024xf32, #tpu.memory_space<vmem>>, vector<1x1x48x1024xf32>,
    %slice3A_606 = vector.extract_strided_slice %dot_general3A_597 {offsets = [48, 0], sizes = [2, 1024], strides = [1, 1]} : vector<50x1024xf32> to vector<2x1024xf32>
    %swap3A_607 = arith.index_cast %rem3A_0 : i32 to index
    %swap3A_608 = arith.constant 31 : index
    %swap3A_609 = arith.constant 0 : index
    %swap3A_610 = arith.constant 0 : index
    %swap3A_611 = vector.load %arg5[%swap3A_607, %swap3A_608, %swap3A_609, %swap3A_610] : memref<2x32x2x1024xf32, #tpu.memory_space<vmem>>, vector<1x1x2x1024xf32>
    %swap3A_612 = vector.shape_cast %swap3A_611 : vector<1x1x2x1024xf32> to vector<2x1024xf32>
    %swap3A_613 = vector.shape_cast %slice3A_606 : vector<2x1024xf32> to vector<1x1x2x1024xf32>
    tpu.vector_store %arg5[%swap3A_607, %swap3A_608, %swap3A_609, %swap3A_610], %swap3A_613 {strides = array<i32>} : memref<2x32x2x1024xf32, #tpu.memory_space<vmem>>, vector<1x1x2x1024xf32>,
    %mul3A = arith.constant 32 : i32
    %mul3A_614 = arith.muli %arg0, %mul3A : i32
    %mul3A_615 = arith.constant 32 : i32
    %mul3A_616 = arith.muli %arg0, %mul3A_615 : i32
    %add3A = arith.constant 0 : i32
    %add3A_617 = arith.addi %mul3A_616, %add3A : i32
    %dma_start3A = tpu.memref_slice %arg6[%rem3A_0] : memref<2x!tpu.dma_semaphore, #tpu.memory_space<semaphore_mem>> -> memref<1x!tpu.dma_semaphore, #tpu.memory_space<semaphore_mem>>
    %dma_start3A_618 = tpu.memref_squeeze %dma_start3A : memref<1x!tpu.dma_semaphore, #tpu.memory_space<semaphore_mem>> -> memref<!tpu.dma_semaphore, #tpu.memory_space<semaphore_mem>>
    %dma_start3A_619 = arith.constant 0 : i32
    %dma_start3A_620 = arith.constant 0 : i32
    %dma_start3A_621 = tpu.memref_slice %arg3[%add3A_617, %dma_start3A_619, %dma_start3A_620] : memref<4096x50x1024xf32, #tpu.memory_space<hbm>> -> memref<1x48x1024xf32, #tpu.memory_space<hbm>>
    %dma_start3A_622 = arith.constant 0 : i32
    %dma_start3A_623 = arith.constant 0 : i32
    %dma_start3A_624 = arith.constant 0 : i32
    %dma_start3A_625 = tpu.memref_slice %arg4[%rem3A_0, %dma_start3A_622, %dma_start3A_623, %dma_start3A_624] : memref<2x32x48x1024xf32, #tpu.memory_space<vmem>> -> memref<1x1x48x1024xf32, #tpu.memory_space<vmem>>
    %dma_start3A_626 = tpu.memref_squeeze %dma_start3A_625 : memref<1x1x48x1024xf32, #tpu.memory_space<vmem>> -> memref<1x48x1024xf32, #tpu.memory_space<vmem>>
    tpu.enqueue_dma source(%dma_start3A_626 : memref<1x48x1024xf32, #tpu.memory_space<vmem>>) target(%dma_start3A_621 : memref<1x48x1024xf32, #tpu.memory_space<hbm>>) target_semaphore(%dma_start3A_618 : memref<!tpu.dma_semaphore, #tpu.memory_space<semaphore_mem>>)
    %mul3A_627 = arith.constant 32 : i32
    %mul3A_628 = arith.muli %arg0, %mul3A_627 : i32
    %add3A_629 = arith.constant 1 : i32
    %add3A_630 = arith.addi %mul3A_628, %add3A_629 : i32
    %dma_start3A_631 = tpu.memref_slice %arg6[%rem3A_0] : memref<2x!tpu.dma_semaphore, #tpu.memory_space<semaphore_mem>> -> memref<1x!tpu.dma_semaphore, #tpu.memory_space<semaphore_mem>>
    %dma_start3A_632 = tpu.memref_squeeze %dma_start3A_631 : memref<1x!tpu.dma_semaphore, #tpu.memory_space<semaphore_mem>> -> memref<!tpu.dma_semaphore, #tpu.memory_space<semaphore_mem>>
    %dma_start3A_633 = arith.constant 0 : i32
    %dma_start3A_634 = arith.constant 0 : i32
    %dma_start3A_635 = tpu.memref_slice %arg3[%add3A_630, %dma_start3A_633, %dma_start3A_634] : memref<4096x50x1024xf32, #tpu.memory_space<hbm>> -> memref<1x48x1024xf32, #tpu.memory_space<hbm>>
    %dma_start3A_636 = arith.constant 1 : i32
    %dma_start3A_637 = arith.constant 0 : i32
    %dma_start3A_638 = arith.constant 0 : i32
    %dma_start3A_639 = tpu.memref_slice %arg4[%rem3A_0, %dma_start3A_636, %dma_start3A_637, %dma_start3A_638] : memref<2x32x48x1024xf32, #tpu.memory_space<vmem>> -> memref<1x1x48x1024xf32, #tpu.memory_space<vmem>>
    %dma_start3A_640 = tpu.memref_squeeze %dma_start3A_639 : memref<1x1x48x1024xf32, #tpu.memory_space<vmem>> -> memref<1x48x1024xf32, #tpu.memory_space<vmem>>
    tpu.enqueue_dma source(%dma_start3A_640 : memref<1x48x1024xf32, #tpu.memory_space<vmem>>) target(%dma_start3A_635 : memref<1x48x1024xf32, #tpu.memory_space<hbm>>) target_semaphore(%dma_start3A_632 : memref<!tpu.dma_semaphore, #tpu.memory_space<semaphore_mem>>)
    %mul3A_641 = arith.constant 32 : i32
    %mul3A_642 = arith.muli %arg0, %mul3A_641 : i32
    %add3A_643 = arith.constant 2 : i32
    %add3A_644 = arith.addi %mul3A_642, %add3A_643 : i32
    %dma_start3A_645 = tpu.memref_slice %arg6[%rem3A_0] : memref<2x!tpu.dma_semaphore, #tpu.memory_space<semaphore_mem>> -> memref<1x!tpu.dma_semaphore, #tpu.memory_space<semaphore_mem>>
    %dma_start3A_646 = tpu.memref_squeeze %dma_start3A_645 : memref<1x!tpu.dma_semaphore, #tpu.memory_space<semaphore_mem>> -> memref<!tpu.dma_semaphore, #tpu.memory_space<semaphore_mem>>
    %dma_start3A_647 = arith.constant 0 : i32
    %dma_start3A_648 = arith.constant 0 : i32
    %dma_start3A_649 = tpu.memref_slice %arg3[%add3A_644, %dma_start3A_647, %dma_start3A_648] : memref<4096x50x1024xf32, #tpu.memory_space<hbm>> -> memref<1x48x1024xf32, #tpu.memory_space<hbm>>
    %dma_start3A_650 = arith.constant 2 : i32
    %dma_start3A_651 = arith.constant 0 : i32
    %dma_start3A_652 = arith.constant 0 : i32
    %dma_start3A_653 = tpu.memref_slice %arg4[%rem3A_0, %dma_start3A_650, %dma_start3A_651, %dma_start3A_652] : memref<2x32x48x1024xf32, #tpu.memory_space<vmem>> -> memref<1x1x48x1024xf32, #tpu.memory_space<vmem>>
    %dma_start3A_654 = tpu.memref_squeeze %dma_start3A_653 : memref<1x1x48x1024xf32, #tpu.memory_space<vmem>> -> memref<1x48x1024xf32, #tpu.memory_space<vmem>>
    tpu.enqueue_dma source(%dma_start3A_654 : memref<1x48x1024xf32, #tpu.memory_space<vmem>>) target(%dma_start3A_649 : memref<1x48x1024xf32, #tpu.memory_space<hbm>>) target_semaphore(%dma_start3A_646 : memref<!tpu.dma_semaphore, #tpu.memory_space<semaphore_mem>>)
    %mul3A_655 = arith.constant 32 : i32
    %mul3A_656 = arith.muli %arg0, %mul3A_655 : i32
    %add3A_657 = arith.constant 3 : i32
    %add3A_658 = arith.addi %mul3A_656, %add3A_657 : i32
    %dma_start3A_659 = tpu.memref_slice %arg6[%rem3A_0] : memref<2x!tpu.dma_semaphore, #tpu.memory_space<semaphore_mem>> -> memref<1x!tpu.dma_semaphore, #tpu.memory_space<semaphore_mem>>
    %dma_start3A_660 = tpu.memref_squeeze %dma_start3A_659 : memref<1x!tpu.dma_semaphore, #tpu.memory_space<semaphore_mem>> -> memref<!tpu.dma_semaphore, #tpu.memory_space<semaphore_mem>>
    %dma_start3A_661 = arith.constant 0 : i32
    %dma_start3A_662 = arith.constant 0 : i32
    %dma_start3A_663 = tpu.memref_slice %arg3[%add3A_658, %dma_start3A_661, %dma_start3A_662] : memref<4096x50x1024xf32, #tpu.memory_space<hbm>> -> memref<1x48x1024xf32, #tpu.memory_space<hbm>>
    %dma_start3A_664 = arith.constant 3 : i32
    %dma_start3A_665 = arith.constant 0 : i32
    %dma_start3A_666 = arith.constant 0 : i32
    %dma_start3A_667 = tpu.memref_slice %arg4[%rem3A_0, %dma_start3A_664, %dma_start3A_665, %dma_start3A_666] : memref<2x32x48x1024xf32, #tpu.memory_space<vmem>> -> memref<1x1x48x1024xf32, #tpu.memory_space<vmem>>
    %dma_start3A_668 = tpu.memref_squeeze %dma_start3A_667 : memref<1x1x48x1024xf32, #tpu.memory_space<vmem>> -> memref<1x48x1024xf32, #tpu.memory_space<vmem>>
    tpu.enqueue_dma source(%dma_start3A_668 : memref<1x48x1024xf32, #tpu.memory_space<vmem>>) target(%dma_start3A_663 : memref<1x48x1024xf32, #tpu.memory_space<hbm>>) target_semaphore(%dma_start3A_660 : memref<!tpu.dma_semaphore, #tpu.memory_space<semaphore_mem>>)
    %mul3A_669 = arith.constant 32 : i32
    %mul3A_670 = arith.muli %arg0, %mul3A_669 : i32
    %add3A_671 = arith.constant 4 : i32
    %add3A_672 = arith.addi %mul3A_670, %add3A_671 : i32
    %dma_start3A_673 = tpu.memref_slice %arg6[%rem3A_0] : memref<2x!tpu.dma_semaphore, #tpu.memory_space<semaphore_mem>> -> memref<1x!tpu.dma_semaphore, #tpu.memory_space<semaphore_mem>>
    %dma_start3A_674 = tpu.memref_squeeze %dma_start3A_673 : memref<1x!tpu.dma_semaphore, #tpu.memory_space<semaphore_mem>> -> memref<!tpu.dma_semaphore, #tpu.memory_space<semaphore_mem>>
    %dma_start3A_675 = arith.constant 0 : i32
    %dma_start3A_676 = arith.constant 0 : i32
    %dma_start3A_677 = tpu.memref_slice %arg3[%add3A_672, %dma_start3A_675, %dma_start3A_676] : memref<4096x50x1024xf32, #tpu.memory_space<hbm>> -> memref<1x48x1024xf32, #tpu.memory_space<hbm>>
    %dma_start3A_678 = arith.constant 4 : i32
    %dma_start3A_679 = arith.constant 0 : i32
    %dma_start3A_680 = arith.constant 0 : i32
    %dma_start3A_681 = tpu.memref_slice %arg4[%rem3A_0, %dma_start3A_678, %dma_start3A_679, %dma_start3A_680] : memref<2x32x48x1024xf32, #tpu.memory_space<vmem>> -> memref<1x1x48x1024xf32, #tpu.memory_space<vmem>>
    %dma_start3A_682 = tpu.memref_squeeze %dma_start3A_681 : memref<1x1x48x1024xf32, #tpu.memory_space<vmem>> -> memref<1x48x1024xf32, #tpu.memory_space<vmem>>
    tpu.enqueue_dma source(%dma_start3A_682 : memref<1x48x1024xf32, #tpu.memory_space<vmem>>) target(%dma_start3A_677 : memref<1x48x1024xf32, #tpu.memory_space<hbm>>) target_semaphore(%dma_start3A_674 : memref<!tpu.dma_semaphore, #tpu.memory_space<semaphore_mem>>)
    %mul3A_683 = arith.constant 32 : i32
    %mul3A_684 = arith.muli %arg0, %mul3A_683 : i32
    %add3A_685 = arith.constant 5 : i32
    %add3A_686 = arith.addi %mul3A_684, %add3A_685 : i32
    %dma_start3A_687 = tpu.memref_slice %arg6[%rem3A_0] : memref<2x!tpu.dma_semaphore, #tpu.memory_space<semaphore_mem>> -> memref<1x!tpu.dma_semaphore, #tpu.memory_space<semaphore_mem>>
    %dma_start3A_688 = tpu.memref_squeeze %dma_start3A_687 : memref<1x!tpu.dma_semaphore, #tpu.memory_space<semaphore_mem>> -> memref<!tpu.dma_semaphore, #tpu.memory_space<semaphore_mem>>
    %dma_start3A_689 = arith.constant 0 : i32
    %dma_start3A_690 = arith.constant 0 : i32
    %dma_start3A_691 = tpu.memref_slice %arg3[%add3A_686, %dma_start3A_689, %dma_start3A_690] : memref<4096x50x1024xf32, #tpu.memory_space<hbm>> -> memref<1x48x1024xf32, #tpu.memory_space<hbm>>
    %dma_start3A_692 = arith.constant 5 : i32
    %dma_start3A_693 = arith.constant 0 : i32
    %dma_start3A_694 = arith.constant 0 : i32
    %dma_start3A_695 = tpu.memref_slice %arg4[%rem3A_0, %dma_start3A_692, %dma_start3A_693, %dma_start3A_694] : memref<2x32x48x1024xf32, #tpu.memory_space<vmem>> -> memref<1x1x48x1024xf32, #tpu.memory_space<vmem>>
    %dma_start3A_696 = tpu.memref_squeeze %dma_start3A_695 : memref<1x1x48x1024xf32, #tpu.memory_space<vmem>> -> memref<1x48x1024xf32, #tpu.memory_space<vmem>>
    tpu.enqueue_dma source(%dma_start3A_696 : memref<1x48x1024xf32, #tpu.memory_space<vmem>>) target(%dma_start3A_691 : memref<1x48x1024xf32, #tpu.memory_space<hbm>>) target_semaphore(%dma_start3A_688 : memref<!tpu.dma_semaphore, #tpu.memory_space<semaphore_mem>>)
    %mul3A_697 = arith.constant 32 : i32
    %mul3A_698 = arith.muli %arg0, %mul3A_697 : i32
    %add3A_699 = arith.constant 6 : i32
    %add3A_700 = arith.addi %mul3A_698, %add3A_699 : i32
    %dma_start3A_701 = tpu.memref_slice %arg6[%rem3A_0] : memref<2x!tpu.dma_semaphore, #tpu.memory_space<semaphore_mem>> -> memref<1x!tpu.dma_semaphore, #tpu.memory_space<semaphore_mem>>
    %dma_start3A_702 = tpu.memref_squeeze %dma_start3A_701 : memref<1x!tpu.dma_semaphore, #tpu.memory_space<semaphore_mem>> -> memref<!tpu.dma_semaphore, #tpu.memory_space<semaphore_mem>>
    %dma_start3A_703 = arith.constant 0 : i32
    %dma_start3A_704 = arith.constant 0 : i32
    %dma_start3A_705 = tpu.memref_slice %arg3[%add3A_700, %dma_start3A_703, %dma_start3A_704] : memref<4096x50x1024xf32, #tpu.memory_space<hbm>> -> memref<1x48x1024xf32, #tpu.memory_space<hbm>>
    %dma_start3A_706 = arith.constant 6 : i32
    %dma_start3A_707 = arith.constant 0 : i32
    %dma_start3A_708 = arith.constant 0 : i32
    %dma_start3A_709 = tpu.memref_slice %arg4[%rem3A_0, %dma_start3A_706, %dma_start3A_707, %dma_start3A_708] : memref<2x32x48x1024xf32, #tpu.memory_space<vmem>> -> memref<1x1x48x1024xf32, #tpu.memory_space<vmem>>
    %dma_start3A_710 = tpu.memref_squeeze %dma_start3A_709 : memref<1x1x48x1024xf32, #tpu.memory_space<vmem>> -> memref<1x48x1024xf32, #tpu.memory_space<vmem>>
    tpu.enqueue_dma source(%dma_start3A_710 : memref<1x48x1024xf32, #tpu.memory_space<vmem>>) target(%dma_start3A_705 : memref<1x48x1024xf32, #tpu.memory_space<hbm>>) target_semaphore(%dma_start3A_702 : memref<!tpu.dma_semaphore, #tpu.memory_space<semaphore_mem>>)
    %mul3A_711 = arith.constant 32 : i32
    %mul3A_712 = arith.muli %arg0, %mul3A_711 : i32
    %add3A_713 = arith.constant 7 : i32
    %add3A_714 = arith.addi %mul3A_712, %add3A_713 : i32
    %dma_start3A_715 = tpu.memref_slice %arg6[%rem3A_0] : memref<2x!tpu.dma_semaphore, #tpu.memory_space<semaphore_mem>> -> memref<1x!tpu.dma_semaphore, #tpu.memory_space<semaphore_mem>>
    %dma_start3A_716 = tpu.memref_squeeze %dma_start3A_715 : memref<1x!tpu.dma_semaphore, #tpu.memory_space<semaphore_mem>> -> memref<!tpu.dma_semaphore, #tpu.memory_space<semaphore_mem>>
    %dma_start3A_717 = arith.constant 0 : i32
    %dma_start3A_718 = arith.constant 0 : i32
    %dma_start3A_719 = tpu.memref_slice %arg3[%add3A_714, %dma_start3A_717, %dma_start3A_718] : memref<4096x50x1024xf32, #tpu.memory_space<hbm>> -> memref<1x48x1024xf32, #tpu.memory_space<hbm>>
    %dma_start3A_720 = arith.constant 7 : i32
    %dma_start3A_721 = arith.constant 0 : i32
    %dma_start3A_722 = arith.constant 0 : i32
    %dma_start3A_723 = tpu.memref_slice %arg4[%rem3A_0, %dma_start3A_720, %dma_start3A_721, %dma_start3A_722] : memref<2x32x48x1024xf32, #tpu.memory_space<vmem>> -> memref<1x1x48x1024xf32, #tpu.memory_space<vmem>>
    %dma_start3A_724 = tpu.memref_squeeze %dma_start3A_723 : memref<1x1x48x1024xf32, #tpu.memory_space<vmem>> -> memref<1x48x1024xf32, #tpu.memory_space<vmem>>
    tpu.enqueue_dma source(%dma_start3A_724 : memref<1x48x1024xf32, #tpu.memory_space<vmem>>) target(%dma_start3A_719 : memref<1x48x1024xf32, #tpu.memory_space<hbm>>) target_semaphore(%dma_start3A_716 : memref<!tpu.dma_semaphore, #tpu.memory_space<semaphore_mem>>)
    %mul3A_725 = arith.constant 32 : i32
    %mul3A_726 = arith.muli %arg0, %mul3A_725 : i32
    %add3A_727 = arith.constant 8 : i32
    %add3A_728 = arith.addi %mul3A_726, %add3A_727 : i32
    %dma_start3A_729 = tpu.memref_slice %arg6[%rem3A_0] : memref<2x!tpu.dma_semaphore, #tpu.memory_space<semaphore_mem>> -> memref<1x!tpu.dma_semaphore, #tpu.memory_space<semaphore_mem>>
    %dma_start3A_730 = tpu.memref_squeeze %dma_start3A_729 : memref<1x!tpu.dma_semaphore, #tpu.memory_space<semaphore_mem>> -> memref<!tpu.dma_semaphore, #tpu.memory_space<semaphore_mem>>
    %dma_start3A_731 = arith.constant 0 : i32
    %dma_start3A_732 = arith.constant 0 : i32
    %dma_start3A_733 = tpu.memref_slice %arg3[%add3A_728, %dma_start3A_731, %dma_start3A_732] : memref<4096x50x1024xf32, #tpu.memory_space<hbm>> -> memref<1x48x1024xf32, #tpu.memory_space<hbm>>
    %dma_start3A_734 = arith.constant 8 : i32
    %dma_start3A_735 = arith.constant 0 : i32
    %dma_start3A_736 = arith.constant 0 : i32
    %dma_start3A_737 = tpu.memref_slice %arg4[%rem3A_0, %dma_start3A_734, %dma_start3A_735, %dma_start3A_736] : memref<2x32x48x1024xf32, #tpu.memory_space<vmem>> -> memref<1x1x48x1024xf32, #tpu.memory_space<vmem>>
    %dma_start3A_738 = tpu.memref_squeeze %dma_start3A_737 : memref<1x1x48x1024xf32, #tpu.memory_space<vmem>> -> memref<1x48x1024xf32, #tpu.memory_space<vmem>>
    tpu.enqueue_dma source(%dma_start3A_738 : memref<1x48x1024xf32, #tpu.memory_space<vmem>>) target(%dma_start3A_733 : memref<1x48x1024xf32, #tpu.memory_space<hbm>>) target_semaphore(%dma_start3A_730 : memref<!tpu.dma_semaphore, #tpu.memory_space<semaphore_mem>>)
    %mul3A_739 = arith.constant 32 : i32
    %mul3A_740 = arith.muli %arg0, %mul3A_739 : i32
    %add3A_741 = arith.constant 9 : i32
    %add3A_742 = arith.addi %mul3A_740, %add3A_741 : i32
    %dma_start3A_743 = tpu.memref_slice %arg6[%rem3A_0] : memref<2x!tpu.dma_semaphore, #tpu.memory_space<semaphore_mem>> -> memref<1x!tpu.dma_semaphore, #tpu.memory_space<semaphore_mem>>
    %dma_start3A_744 = tpu.memref_squeeze %dma_start3A_743 : memref<1x!tpu.dma_semaphore, #tpu.memory_space<semaphore_mem>> -> memref<!tpu.dma_semaphore, #tpu.memory_space<semaphore_mem>>
    %dma_start3A_745 = arith.constant 0 : i32
    %dma_start3A_746 = arith.constant 0 : i32
    %dma_start3A_747 = tpu.memref_slice %arg3[%add3A_742, %dma_start3A_745, %dma_start3A_746] : memref<4096x50x1024xf32, #tpu.memory_space<hbm>> -> memref<1x48x1024xf32, #tpu.memory_space<hbm>>
    %dma_start3A_748 = arith.constant 9 : i32
    %dma_start3A_749 = arith.constant 0 : i32
    %dma_start3A_750 = arith.constant 0 : i32
    %dma_start3A_751 = tpu.memref_slice %arg4[%rem3A_0, %dma_start3A_748, %dma_start3A_749, %dma_start3A_750] : memref<2x32x48x1024xf32, #tpu.memory_space<vmem>> -> memref<1x1x48x1024xf32, #tpu.memory_space<vmem>>
    %dma_start3A_752 = tpu.memref_squeeze %dma_start3A_751 : memref<1x1x48x1024xf32, #tpu.memory_space<vmem>> -> memref<1x48x1024xf32, #tpu.memory_space<vmem>>
    tpu.enqueue_dma source(%dma_start3A_752 : memref<1x48x1024xf32, #tpu.memory_space<vmem>>) target(%dma_start3A_747 : memref<1x48x1024xf32, #tpu.memory_space<hbm>>) target_semaphore(%dma_start3A_744 : memref<!tpu.dma_semaphore, #tpu.memory_space<semaphore_mem>>)
    %mul3A_753 = arith.constant 32 : i32
    %mul3A_754 = arith.muli %arg0, %mul3A_753 : i32
    %add3A_755 = arith.constant 10 : i32
    %add3A_756 = arith.addi %mul3A_754, %add3A_755 : i32
    %dma_start3A_757 = tpu.memref_slice %arg6[%rem3A_0] : memref<2x!tpu.dma_semaphore, #tpu.memory_space<semaphore_mem>> -> memref<1x!tpu.dma_semaphore, #tpu.memory_space<semaphore_mem>>
    %dma_start3A_758 = tpu.memref_squeeze %dma_start3A_757 : memref<1x!tpu.dma_semaphore, #tpu.memory_space<semaphore_mem>> -> memref<!tpu.dma_semaphore, #tpu.memory_space<semaphore_mem>>
    %dma_start3A_759 = arith.constant 0 : i32
    %dma_start3A_760 = arith.constant 0 : i32
    %dma_start3A_761 = tpu.memref_slice %arg3[%add3A_756, %dma_start3A_759, %dma_start3A_760] : memref<4096x50x1024xf32, #tpu.memory_space<hbm>> -> memref<1x48x1024xf32, #tpu.memory_space<hbm>>
    %dma_start3A_762 = arith.constant 10 : i32
    %dma_start3A_763 = arith.constant 0 : i32
    %dma_start3A_764 = arith.constant 0 : i32
    %dma_start3A_765 = tpu.memref_slice %arg4[%rem3A_0, %dma_start3A_762, %dma_start3A_763, %dma_start3A_764] : memref<2x32x48x1024xf32, #tpu.memory_space<vmem>> -> memref<1x1x48x1024xf32, #tpu.memory_space<vmem>>
    %dma_start3A_766 = tpu.memref_squeeze %dma_start3A_765 : memref<1x1x48x1024xf32, #tpu.memory_space<vmem>> -> memref<1x48x1024xf32, #tpu.memory_space<vmem>>
    tpu.enqueue_dma source(%dma_start3A_766 : memref<1x48x1024xf32, #tpu.memory_space<vmem>>) target(%dma_start3A_761 : memref<1x48x1024xf32, #tpu.memory_space<hbm>>) target_semaphore(%dma_start3A_758 : memref<!tpu.dma_semaphore, #tpu.memory_space<semaphore_mem>>)
    %mul3A_767 = arith.constant 32 : i32
    %mul3A_768 = arith.muli %arg0, %mul3A_767 : i32
    %add3A_769 = arith.constant 11 : i32
    %add3A_770 = arith.addi %mul3A_768, %add3A_769 : i32
    %dma_start3A_771 = tpu.memref_slice %arg6[%rem3A_0] : memref<2x!tpu.dma_semaphore, #tpu.memory_space<semaphore_mem>> -> memref<1x!tpu.dma_semaphore, #tpu.memory_space<semaphore_mem>>
    %dma_start3A_772 = tpu.memref_squeeze %dma_start3A_771 : memref<1x!tpu.dma_semaphore, #tpu.memory_space<semaphore_mem>> -> memref<!tpu.dma_semaphore, #tpu.memory_space<semaphore_mem>>
    %dma_start3A_773 = arith.constant 0 : i32
    %dma_start3A_774 = arith.constant 0 : i32
    %dma_start3A_775 = tpu.memref_slice %arg3[%add3A_770, %dma_start3A_773, %dma_start3A_774] : memref<4096x50x1024xf32, #tpu.memory_space<hbm>> -> memref<1x48x1024xf32, #tpu.memory_space<hbm>>
    %dma_start3A_776 = arith.constant 11 : i32
    %dma_start3A_777 = arith.constant 0 : i32
    %dma_start3A_778 = arith.constant 0 : i32
    %dma_start3A_779 = tpu.memref_slice %arg4[%rem3A_0, %dma_start3A_776, %dma_start3A_777, %dma_start3A_778] : memref<2x32x48x1024xf32, #tpu.memory_space<vmem>> -> memref<1x1x48x1024xf32, #tpu.memory_space<vmem>>
    %dma_start3A_780 = tpu.memref_squeeze %dma_start3A_779 : memref<1x1x48x1024xf32, #tpu.memory_space<vmem>> -> memref<1x48x1024xf32, #tpu.memory_space<vmem>>
    tpu.enqueue_dma source(%dma_start3A_780 : memref<1x48x1024xf32, #tpu.memory_space<vmem>>) target(%dma_start3A_775 : memref<1x48x1024xf32, #tpu.memory_space<hbm>>) target_semaphore(%dma_start3A_772 : memref<!tpu.dma_semaphore, #tpu.memory_space<semaphore_mem>>)
    %mul3A_781 = arith.constant 32 : i32
    %mul3A_782 = arith.muli %arg0, %mul3A_781 : i32
    %add3A_783 = arith.constant 12 : i32
    %add3A_784 = arith.addi %mul3A_782, %add3A_783 : i32
    %dma_start3A_785 = tpu.memref_slice %arg6[%rem3A_0] : memref<2x!tpu.dma_semaphore, #tpu.memory_space<semaphore_mem>> -> memref<1x!tpu.dma_semaphore, #tpu.memory_space<semaphore_mem>>
    %dma_start3A_786 = tpu.memref_squeeze %dma_start3A_785 : memref<1x!tpu.dma_semaphore, #tpu.memory_space<semaphore_mem>> -> memref<!tpu.dma_semaphore, #tpu.memory_space<semaphore_mem>>
    %dma_start3A_787 = arith.constant 0 : i32
    %dma_start3A_788 = arith.constant 0 : i32
    %dma_start3A_789 = tpu.memref_slice %arg3[%add3A_784, %dma_start3A_787, %dma_start3A_788] : memref<4096x50x1024xf32, #tpu.memory_space<hbm>> -> memref<1x48x1024xf32, #tpu.memory_space<hbm>>
    %dma_start3A_790 = arith.constant 12 : i32
    %dma_start3A_791 = arith.constant 0 : i32
    %dma_start3A_792 = arith.constant 0 : i32
    %dma_start3A_793 = tpu.memref_slice %arg4[%rem3A_0, %dma_start3A_790, %dma_start3A_791, %dma_start3A_792] : memref<2x32x48x1024xf32, #tpu.memory_space<vmem>> -> memref<1x1x48x1024xf32, #tpu.memory_space<vmem>>
    %dma_start3A_794 = tpu.memref_squeeze %dma_start3A_793 : memref<1x1x48x1024xf32, #tpu.memory_space<vmem>> -> memref<1x48x1024xf32, #tpu.memory_space<vmem>>
    tpu.enqueue_dma source(%dma_start3A_794 : memref<1x48x1024xf32, #tpu.memory_space<vmem>>) target(%dma_start3A_789 : memref<1x48x1024xf32, #tpu.memory_space<hbm>>) target_semaphore(%dma_start3A_786 : memref<!tpu.dma_semaphore, #tpu.memory_space<semaphore_mem>>)
    %mul3A_795 = arith.constant 32 : i32
    %mul3A_796 = arith.muli %arg0, %mul3A_795 : i32
    %add3A_797 = arith.constant 13 : i32
    %add3A_798 = arith.addi %mul3A_796, %add3A_797 : i32
    %dma_start3A_799 = tpu.memref_slice %arg6[%rem3A_0] : memref<2x!tpu.dma_semaphore, #tpu.memory_space<semaphore_mem>> -> memref<1x!tpu.dma_semaphore, #tpu.memory_space<semaphore_mem>>
    %dma_start3A_800 = tpu.memref_squeeze %dma_start3A_799 : memref<1x!tpu.dma_semaphore, #tpu.memory_space<semaphore_mem>> -> memref<!tpu.dma_semaphore, #tpu.memory_space<semaphore_mem>>
    %dma_start3A_801 = arith.constant 0 : i32
    %dma_start3A_802 = arith.constant 0 : i32
    %dma_start3A_803 = tpu.memref_slice %arg3[%add3A_798, %dma_start3A_801, %dma_start3A_802] : memref<4096x50x1024xf32, #tpu.memory_space<hbm>> -> memref<1x48x1024xf32, #tpu.memory_space<hbm>>
    %dma_start3A_804 = arith.constant 13 : i32
    %dma_start3A_805 = arith.constant 0 : i32
    %dma_start3A_806 = arith.constant 0 : i32
    %dma_start3A_807 = tpu.memref_slice %arg4[%rem3A_0, %dma_start3A_804, %dma_start3A_805, %dma_start3A_806] : memref<2x32x48x1024xf32, #tpu.memory_space<vmem>> -> memref<1x1x48x1024xf32, #tpu.memory_space<vmem>>
    %dma_start3A_808 = tpu.memref_squeeze %dma_start3A_807 : memref<1x1x48x1024xf32, #tpu.memory_space<vmem>> -> memref<1x48x1024xf32, #tpu.memory_space<vmem>>
    tpu.enqueue_dma source(%dma_start3A_808 : memref<1x48x1024xf32, #tpu.memory_space<vmem>>) target(%dma_start3A_803 : memref<1x48x1024xf32, #tpu.memory_space<hbm>>) target_semaphore(%dma_start3A_800 : memref<!tpu.dma_semaphore, #tpu.memory_space<semaphore_mem>>)
    %mul3A_809 = arith.constant 32 : i32
    %mul3A_810 = arith.muli %arg0, %mul3A_809 : i32
    %add3A_811 = arith.constant 14 : i32
    %add3A_812 = arith.addi %mul3A_810, %add3A_811 : i32
    %dma_start3A_813 = tpu.memref_slice %arg6[%rem3A_0] : memref<2x!tpu.dma_semaphore, #tpu.memory_space<semaphore_mem>> -> memref<1x!tpu.dma_semaphore, #tpu.memory_space<semaphore_mem>>
    %dma_start3A_814 = tpu.memref_squeeze %dma_start3A_813 : memref<1x!tpu.dma_semaphore, #tpu.memory_space<semaphore_mem>> -> memref<!tpu.dma_semaphore, #tpu.memory_space<semaphore_mem>>
    %dma_start3A_815 = arith.constant 0 : i32
    %dma_start3A_816 = arith.constant 0 : i32
    %dma_start3A_817 = tpu.memref_slice %arg3[%add3A_812, %dma_start3A_815, %dma_start3A_816] : memref<4096x50x1024xf32, #tpu.memory_space<hbm>> -> memref<1x48x1024xf32, #tpu.memory_space<hbm>>
    %dma_start3A_818 = arith.constant 14 : i32
    %dma_start3A_819 = arith.constant 0 : i32
    %dma_start3A_820 = arith.constant 0 : i32
    %dma_start3A_821 = tpu.memref_slice %arg4[%rem3A_0, %dma_start3A_818, %dma_start3A_819, %dma_start3A_820] : memref<2x32x48x1024xf32, #tpu.memory_space<vmem>> -> memref<1x1x48x1024xf32, #tpu.memory_space<vmem>>
    %dma_start3A_822 = tpu.memref_squeeze %dma_start3A_821 : memref<1x1x48x1024xf32, #tpu.memory_space<vmem>> -> memref<1x48x1024xf32, #tpu.memory_space<vmem>>
    tpu.enqueue_dma source(%dma_start3A_822 : memref<1x48x1024xf32, #tpu.memory_space<vmem>>) target(%dma_start3A_817 : memref<1x48x1024xf32, #tpu.memory_space<hbm>>) target_semaphore(%dma_start3A_814 : memref<!tpu.dma_semaphore, #tpu.memory_space<semaphore_mem>>)
    %mul3A_823 = arith.constant 32 : i32
    %mul3A_824 = arith.muli %arg0, %mul3A_823 : i32
    %add3A_825 = arith.constant 15 : i32
    %add3A_826 = arith.addi %mul3A_824, %add3A_825 : i32
    %dma_start3A_827 = tpu.memref_slice %arg6[%rem3A_0] : memref<2x!tpu.dma_semaphore, #tpu.memory_space<semaphore_mem>> -> memref<1x!tpu.dma_semaphore, #tpu.memory_space<semaphore_mem>>
    %dma_start3A_828 = tpu.memref_squeeze %dma_start3A_827 : memref<1x!tpu.dma_semaphore, #tpu.memory_space<semaphore_mem>> -> memref<!tpu.dma_semaphore, #tpu.memory_space<semaphore_mem>>
    %dma_start3A_829 = arith.constant 0 : i32
    %dma_start3A_830 = arith.constant 0 : i32
    %dma_start3A_831 = tpu.memref_slice %arg3[%add3A_826, %dma_start3A_829, %dma_start3A_830] : memref<4096x50x1024xf32, #tpu.memory_space<hbm>> -> memref<1x48x1024xf32, #tpu.memory_space<hbm>>
    %dma_start3A_832 = arith.constant 15 : i32
    %dma_start3A_833 = arith.constant 0 : i32
    %dma_start3A_834 = arith.constant 0 : i32
    %dma_start3A_835 = tpu.memref_slice %arg4[%rem3A_0, %dma_start3A_832, %dma_start3A_833, %dma_start3A_834] : memref<2x32x48x1024xf32, #tpu.memory_space<vmem>> -> memref<1x1x48x1024xf32, #tpu.memory_space<vmem>>
    %dma_start3A_836 = tpu.memref_squeeze %dma_start3A_835 : memref<1x1x48x1024xf32, #tpu.memory_space<vmem>> -> memref<1x48x1024xf32, #tpu.memory_space<vmem>>
    tpu.enqueue_dma source(%dma_start3A_836 : memref<1x48x1024xf32, #tpu.memory_space<vmem>>) target(%dma_start3A_831 : memref<1x48x1024xf32, #tpu.memory_space<hbm>>) target_semaphore(%dma_start3A_828 : memref<!tpu.dma_semaphore, #tpu.memory_space<semaphore_mem>>)
    %mul3A_837 = arith.constant 32 : i32
    %mul3A_838 = arith.muli %arg0, %mul3A_837 : i32
    %add3A_839 = arith.constant 16 : i32
    %add3A_840 = arith.addi %mul3A_838, %add3A_839 : i32
    %dma_start3A_841 = tpu.memref_slice %arg6[%rem3A_0] : memref<2x!tpu.dma_semaphore, #tpu.memory_space<semaphore_mem>> -> memref<1x!tpu.dma_semaphore, #tpu.memory_space<semaphore_mem>>
    %dma_start3A_842 = tpu.memref_squeeze %dma_start3A_841 : memref<1x!tpu.dma_semaphore, #tpu.memory_space<semaphore_mem>> -> memref<!tpu.dma_semaphore, #tpu.memory_space<semaphore_mem>>
    %dma_start3A_843 = arith.constant 0 : i32
    %dma_start3A_844 = arith.constant 0 : i32
    %dma_start3A_845 = tpu.memref_slice %arg3[%add3A_840, %dma_start3A_843, %dma_start3A_844] : memref<4096x50x1024xf32, #tpu.memory_space<hbm>> -> memref<1x48x1024xf32, #tpu.memory_space<hbm>>
    %dma_start3A_846 = arith.constant 16 : i32
    %dma_start3A_847 = arith.constant 0 : i32
    %dma_start3A_848 = arith.constant 0 : i32
    %dma_start3A_849 = tpu.memref_slice %arg4[%rem3A_0, %dma_start3A_846, %dma_start3A_847, %dma_start3A_848] : memref<2x32x48x1024xf32, #tpu.memory_space<vmem>> -> memref<1x1x48x1024xf32, #tpu.memory_space<vmem>>
    %dma_start3A_850 = tpu.memref_squeeze %dma_start3A_849 : memref<1x1x48x1024xf32, #tpu.memory_space<vmem>> -> memref<1x48x1024xf32, #tpu.memory_space<vmem>>
    tpu.enqueue_dma source(%dma_start3A_850 : memref<1x48x1024xf32, #tpu.memory_space<vmem>>) target(%dma_start3A_845 : memref<1x48x1024xf32, #tpu.memory_space<hbm>>) target_semaphore(%dma_start3A_842 : memref<!tpu.dma_semaphore, #tpu.memory_space<semaphore_mem>>)
    %mul3A_851 = arith.constant 32 : i32
    %mul3A_852 = arith.muli %arg0, %mul3A_851 : i32
    %add3A_853 = arith.constant 17 : i32
    %add3A_854 = arith.addi %mul3A_852, %add3A_853 : i32
    %dma_start3A_855 = tpu.memref_slice %arg6[%rem3A_0] : memref<2x!tpu.dma_semaphore, #tpu.memory_space<semaphore_mem>> -> memref<1x!tpu.dma_semaphore, #tpu.memory_space<semaphore_mem>>
    %dma_start3A_856 = tpu.memref_squeeze %dma_start3A_855 : memref<1x!tpu.dma_semaphore, #tpu.memory_space<semaphore_mem>> -> memref<!tpu.dma_semaphore, #tpu.memory_space<semaphore_mem>>
    %dma_start3A_857 = arith.constant 0 : i32
    %dma_start3A_858 = arith.constant 0 : i32
    %dma_start3A_859 = tpu.memref_slice %arg3[%add3A_854, %dma_start3A_857, %dma_start3A_858] : memref<4096x50x1024xf32, #tpu.memory_space<hbm>> -> memref<1x48x1024xf32, #tpu.memory_space<hbm>>
    %dma_start3A_860 = arith.constant 17 : i32
    %dma_start3A_861 = arith.constant 0 : i32
    %dma_start3A_862 = arith.constant 0 : i32
    %dma_start3A_863 = tpu.memref_slice %arg4[%rem3A_0, %dma_start3A_860, %dma_start3A_861, %dma_start3A_862] : memref<2x32x48x1024xf32, #tpu.memory_space<vmem>> -> memref<1x1x48x1024xf32, #tpu.memory_space<vmem>>
    %dma_start3A_864 = tpu.memref_squeeze %dma_start3A_863 : memref<1x1x48x1024xf32, #tpu.memory_space<vmem>> -> memref<1x48x1024xf32, #tpu.memory_space<vmem>>
    tpu.enqueue_dma source(%dma_start3A_864 : memref<1x48x1024xf32, #tpu.memory_space<vmem>>) target(%dma_start3A_859 : memref<1x48x1024xf32, #tpu.memory_space<hbm>>) target_semaphore(%dma_start3A_856 : memref<!tpu.dma_semaphore, #tpu.memory_space<semaphore_mem>>)
    %mul3A_865 = arith.constant 32 : i32
    %mul3A_866 = arith.muli %arg0, %mul3A_865 : i32
    %add3A_867 = arith.constant 18 : i32
    %add3A_868 = arith.addi %mul3A_866, %add3A_867 : i32
    %dma_start3A_869 = tpu.memref_slice %arg6[%rem3A_0] : memref<2x!tpu.dma_semaphore, #tpu.memory_space<semaphore_mem>> -> memref<1x!tpu.dma_semaphore, #tpu.memory_space<semaphore_mem>>
    %dma_start3A_870 = tpu.memref_squeeze %dma_start3A_869 : memref<1x!tpu.dma_semaphore, #tpu.memory_space<semaphore_mem>> -> memref<!tpu.dma_semaphore, #tpu.memory_space<semaphore_mem>>
    %dma_start3A_871 = arith.constant 0 : i32
    %dma_start3A_872 = arith.constant 0 : i32
    %dma_start3A_873 = tpu.memref_slice %arg3[%add3A_868, %dma_start3A_871, %dma_start3A_872] : memref<4096x50x1024xf32, #tpu.memory_space<hbm>> -> memref<1x48x1024xf32, #tpu.memory_space<hbm>>
    %dma_start3A_874 = arith.constant 18 : i32
    %dma_start3A_875 = arith.constant 0 : i32
    %dma_start3A_876 = arith.constant 0 : i32
    %dma_start3A_877 = tpu.memref_slice %arg4[%rem3A_0, %dma_start3A_874, %dma_start3A_875, %dma_start3A_876] : memref<2x32x48x1024xf32, #tpu.memory_space<vmem>> -> memref<1x1x48x1024xf32, #tpu.memory_space<vmem>>
    %dma_start3A_878 = tpu.memref_squeeze %dma_start3A_877 : memref<1x1x48x1024xf32, #tpu.memory_space<vmem>> -> memref<1x48x1024xf32, #tpu.memory_space<vmem>>
    tpu.enqueue_dma source(%dma_start3A_878 : memref<1x48x1024xf32, #tpu.memory_space<vmem>>) target(%dma_start3A_873 : memref<1x48x1024xf32, #tpu.memory_space<hbm>>) target_semaphore(%dma_start3A_870 : memref<!tpu.dma_semaphore, #tpu.memory_space<semaphore_mem>>)
    %mul3A_879 = arith.constant 32 : i32
    %mul3A_880 = arith.muli %arg0, %mul3A_879 : i32
    %add3A_881 = arith.constant 19 : i32
    %add3A_882 = arith.addi %mul3A_880, %add3A_881 : i32
    %dma_start3A_883 = tpu.memref_slice %arg6[%rem3A_0] : memref<2x!tpu.dma_semaphore, #tpu.memory_space<semaphore_mem>> -> memref<1x!tpu.dma_semaphore, #tpu.memory_space<semaphore_mem>>
    %dma_start3A_884 = tpu.memref_squeeze %dma_start3A_883 : memref<1x!tpu.dma_semaphore, #tpu.memory_space<semaphore_mem>> -> memref<!tpu.dma_semaphore, #tpu.memory_space<semaphore_mem>>
    %dma_start3A_885 = arith.constant 0 : i32
    %dma_start3A_886 = arith.constant 0 : i32
    %dma_start3A_887 = tpu.memref_slice %arg3[%add3A_882, %dma_start3A_885, %dma_start3A_886] : memref<4096x50x1024xf32, #tpu.memory_space<hbm>> -> memref<1x48x1024xf32, #tpu.memory_space<hbm>>
    %dma_start3A_888 = arith.constant 19 : i32
    %dma_start3A_889 = arith.constant 0 : i32
    %dma_start3A_890 = arith.constant 0 : i32
    %dma_start3A_891 = tpu.memref_slice %arg4[%rem3A_0, %dma_start3A_888, %dma_start3A_889, %dma_start3A_890] : memref<2x32x48x1024xf32, #tpu.memory_space<vmem>> -> memref<1x1x48x1024xf32, #tpu.memory_space<vmem>>
    %dma_start3A_892 = tpu.memref_squeeze %dma_start3A_891 : memref<1x1x48x1024xf32, #tpu.memory_space<vmem>> -> memref<1x48x1024xf32, #tpu.memory_space<vmem>>
    tpu.enqueue_dma source(%dma_start3A_892 : memref<1x48x1024xf32, #tpu.memory_space<vmem>>) target(%dma_start3A_887 : memref<1x48x1024xf32, #tpu.memory_space<hbm>>) target_semaphore(%dma_start3A_884 : memref<!tpu.dma_semaphore, #tpu.memory_space<semaphore_mem>>)
    %mul3A_893 = arith.constant 32 : i32
    %mul3A_894 = arith.muli %arg0, %mul3A_893 : i32
    %add3A_895 = arith.constant 20 : i32
    %add3A_896 = arith.addi %mul3A_894, %add3A_895 : i32
    %dma_start3A_897 = tpu.memref_slice %arg6[%rem3A_0] : memref<2x!tpu.dma_semaphore, #tpu.memory_space<semaphore_mem>> -> memref<1x!tpu.dma_semaphore, #tpu.memory_space<semaphore_mem>>
    %dma_start3A_898 = tpu.memref_squeeze %dma_start3A_897 : memref<1x!tpu.dma_semaphore, #tpu.memory_space<semaphore_mem>> -> memref<!tpu.dma_semaphore, #tpu.memory_space<semaphore_mem>>
    %dma_start3A_899 = arith.constant 0 : i32
    %dma_start3A_900 = arith.constant 0 : i32
    %dma_start3A_901 = tpu.memref_slice %arg3[%add3A_896, %dma_start3A_899, %dma_start3A_900] : memref<4096x50x1024xf32, #tpu.memory_space<hbm>> -> memref<1x48x1024xf32, #tpu.memory_space<hbm>>
    %dma_start3A_902 = arith.constant 20 : i32
    %dma_start3A_903 = arith.constant 0 : i32
    %dma_start3A_904 = arith.constant 0 : i32
    %dma_start3A_905 = tpu.memref_slice %arg4[%rem3A_0, %dma_start3A_902, %dma_start3A_903, %dma_start3A_904] : memref<2x32x48x1024xf32, #tpu.memory_space<vmem>> -> memref<1x1x48x1024xf32, #tpu.memory_space<vmem>>
    %dma_start3A_906 = tpu.memref_squeeze %dma_start3A_905 : memref<1x1x48x1024xf32, #tpu.memory_space<vmem>> -> memref<1x48x1024xf32, #tpu.memory_space<vmem>>
    tpu.enqueue_dma source(%dma_start3A_906 : memref<1x48x1024xf32, #tpu.memory_space<vmem>>) target(%dma_start3A_901 : memref<1x48x1024xf32, #tpu.memory_space<hbm>>) target_semaphore(%dma_start3A_898 : memref<!tpu.dma_semaphore, #tpu.memory_space<semaphore_mem>>)
    %mul3A_907 = arith.constant 32 : i32
    %mul3A_908 = arith.muli %arg0, %mul3A_907 : i32
    %add3A_909 = arith.constant 21 : i32
    %add3A_910 = arith.addi %mul3A_908, %add3A_909 : i32
    %dma_start3A_911 = tpu.memref_slice %arg6[%rem3A_0] : memref<2x!tpu.dma_semaphore, #tpu.memory_space<semaphore_mem>> -> memref<1x!tpu.dma_semaphore, #tpu.memory_space<semaphore_mem>>
    %dma_start3A_912 = tpu.memref_squeeze %dma_start3A_911 : memref<1x!tpu.dma_semaphore, #tpu.memory_space<semaphore_mem>> -> memref<!tpu.dma_semaphore, #tpu.memory_space<semaphore_mem>>
    %dma_start3A_913 = arith.constant 0 : i32
    %dma_start3A_914 = arith.constant 0 : i32
    %dma_start3A_915 = tpu.memref_slice %arg3[%add3A_910, %dma_start3A_913, %dma_start3A_914] : memref<4096x50x1024xf32, #tpu.memory_space<hbm>> -> memref<1x48x1024xf32, #tpu.memory_space<hbm>>
    %dma_start3A_916 = arith.constant 21 : i32
    %dma_start3A_917 = arith.constant 0 : i32
    %dma_start3A_918 = arith.constant 0 : i32
    %dma_start3A_919 = tpu.memref_slice %arg4[%rem3A_0, %dma_start3A_916, %dma_start3A_917, %dma_start3A_918] : memref<2x32x48x1024xf32, #tpu.memory_space<vmem>> -> memref<1x1x48x1024xf32, #tpu.memory_space<vmem>>
    %dma_start3A_920 = tpu.memref_squeeze %dma_start3A_919 : memref<1x1x48x1024xf32, #tpu.memory_space<vmem>> -> memref<1x48x1024xf32, #tpu.memory_space<vmem>>
    tpu.enqueue_dma source(%dma_start3A_920 : memref<1x48x1024xf32, #tpu.memory_space<vmem>>) target(%dma_start3A_915 : memref<1x48x1024xf32, #tpu.memory_space<hbm>>) target_semaphore(%dma_start3A_912 : memref<!tpu.dma_semaphore, #tpu.memory_space<semaphore_mem>>)
    %mul3A_921 = arith.constant 32 : i32
    %mul3A_922 = arith.muli %arg0, %mul3A_921 : i32
    %add3A_923 = arith.constant 22 : i32
    %add3A_924 = arith.addi %mul3A_922, %add3A_923 : i32
    %dma_start3A_925 = tpu.memref_slice %arg6[%rem3A_0] : memref<2x!tpu.dma_semaphore, #tpu.memory_space<semaphore_mem>> -> memref<1x!tpu.dma_semaphore, #tpu.memory_space<semaphore_mem>>
    %dma_start3A_926 = tpu.memref_squeeze %dma_start3A_925 : memref<1x!tpu.dma_semaphore, #tpu.memory_space<semaphore_mem>> -> memref<!tpu.dma_semaphore, #tpu.memory_space<semaphore_mem>>
    %dma_start3A_927 = arith.constant 0 : i32
    %dma_start3A_928 = arith.constant 0 : i32
    %dma_start3A_929 = tpu.memref_slice %arg3[%add3A_924, %dma_start3A_927, %dma_start3A_928] : memref<4096x50x1024xf32, #tpu.memory_space<hbm>> -> memref<1x48x1024xf32, #tpu.memory_space<hbm>>
    %dma_start3A_930 = arith.constant 22 : i32
    %dma_start3A_931 = arith.constant 0 : i32
    %dma_start3A_932 = arith.constant 0 : i32
    %dma_start3A_933 = tpu.memref_slice %arg4[%rem3A_0, %dma_start3A_930, %dma_start3A_931, %dma_start3A_932] : memref<2x32x48x1024xf32, #tpu.memory_space<vmem>> -> memref<1x1x48x1024xf32, #tpu.memory_space<vmem>>
    %dma_start3A_934 = tpu.memref_squeeze %dma_start3A_933 : memref<1x1x48x1024xf32, #tpu.memory_space<vmem>> -> memref<1x48x1024xf32, #tpu.memory_space<vmem>>
    tpu.enqueue_dma source(%dma_start3A_934 : memref<1x48x1024xf32, #tpu.memory_space<vmem>>) target(%dma_start3A_929 : memref<1x48x1024xf32, #tpu.memory_space<hbm>>) target_semaphore(%dma_start3A_926 : memref<!tpu.dma_semaphore, #tpu.memory_space<semaphore_mem>>)
    %mul3A_935 = arith.constant 32 : i32
    %mul3A_936 = arith.muli %arg0, %mul3A_935 : i32
    %add3A_937 = arith.constant 23 : i32
    %add3A_938 = arith.addi %mul3A_936, %add3A_937 : i32
    %dma_start3A_939 = tpu.memref_slice %arg6[%rem3A_0] : memref<2x!tpu.dma_semaphore, #tpu.memory_space<semaphore_mem>> -> memref<1x!tpu.dma_semaphore, #tpu.memory_space<semaphore_mem>>
    %dma_start3A_940 = tpu.memref_squeeze %dma_start3A_939 : memref<1x!tpu.dma_semaphore, #tpu.memory_space<semaphore_mem>> -> memref<!tpu.dma_semaphore, #tpu.memory_space<semaphore_mem>>
    %dma_start3A_941 = arith.constant 0 : i32
    %dma_start3A_942 = arith.constant 0 : i32
    %dma_start3A_943 = tpu.memref_slice %arg3[%add3A_938, %dma_start3A_941, %dma_start3A_942] : memref<4096x50x1024xf32, #tpu.memory_space<hbm>> -> memref<1x48x1024xf32, #tpu.memory_space<hbm>>
    %dma_start3A_944 = arith.constant 23 : i32
    %dma_start3A_945 = arith.constant 0 : i32
    %dma_start3A_946 = arith.constant 0 : i32
    %dma_start3A_947 = tpu.memref_slice %arg4[%rem3A_0, %dma_start3A_944, %dma_start3A_945, %dma_start3A_946] : memref<2x32x48x1024xf32, #tpu.memory_space<vmem>> -> memref<1x1x48x1024xf32, #tpu.memory_space<vmem>>
    %dma_start3A_948 = tpu.memref_squeeze %dma_start3A_947 : memref<1x1x48x1024xf32, #tpu.memory_space<vmem>> -> memref<1x48x1024xf32, #tpu.memory_space<vmem>>
    tpu.enqueue_dma source(%dma_start3A_948 : memref<1x48x1024xf32, #tpu.memory_space<vmem>>) target(%dma_start3A_943 : memref<1x48x1024xf32, #tpu.memory_space<hbm>>) target_semaphore(%dma_start3A_940 : memref<!tpu.dma_semaphore, #tpu.memory_space<semaphore_mem>>)
    %mul3A_949 = arith.constant 32 : i32
    %mul3A_950 = arith.muli %arg0, %mul3A_949 : i32
    %add3A_951 = arith.constant 24 : i32
    %add3A_952 = arith.addi %mul3A_950, %add3A_951 : i32
    %dma_start3A_953 = tpu.memref_slice %arg6[%rem3A_0] : memref<2x!tpu.dma_semaphore, #tpu.memory_space<semaphore_mem>> -> memref<1x!tpu.dma_semaphore, #tpu.memory_space<semaphore_mem>>
    %dma_start3A_954 = tpu.memref_squeeze %dma_start3A_953 : memref<1x!tpu.dma_semaphore, #tpu.memory_space<semaphore_mem>> -> memref<!tpu.dma_semaphore, #tpu.memory_space<semaphore_mem>>
    %dma_start3A_955 = arith.constant 0 : i32
    %dma_start3A_956 = arith.constant 0 : i32
    %dma_start3A_957 = tpu.memref_slice %arg3[%add3A_952, %dma_start3A_955, %dma_start3A_956] : memref<4096x50x1024xf32, #tpu.memory_space<hbm>> -> memref<1x48x1024xf32, #tpu.memory_space<hbm>>
    %dma_start3A_958 = arith.constant 24 : i32
    %dma_start3A_959 = arith.constant 0 : i32
    %dma_start3A_960 = arith.constant 0 : i32
    %dma_start3A_961 = tpu.memref_slice %arg4[%rem3A_0, %dma_start3A_958, %dma_start3A_959, %dma_start3A_960] : memref<2x32x48x1024xf32, #tpu.memory_space<vmem>> -> memref<1x1x48x1024xf32, #tpu.memory_space<vmem>>
    %dma_start3A_962 = tpu.memref_squeeze %dma_start3A_961 : memref<1x1x48x1024xf32, #tpu.memory_space<vmem>> -> memref<1x48x1024xf32, #tpu.memory_space<vmem>>
    tpu.enqueue_dma source(%dma_start3A_962 : memref<1x48x1024xf32, #tpu.memory_space<vmem>>) target(%dma_start3A_957 : memref<1x48x1024xf32, #tpu.memory_space<hbm>>) target_semaphore(%dma_start3A_954 : memref<!tpu.dma_semaphore, #tpu.memory_space<semaphore_mem>>)
    %mul3A_963 = arith.constant 32 : i32
    %mul3A_964 = arith.muli %arg0, %mul3A_963 : i32
    %add3A_965 = arith.constant 25 : i32
    %add3A_966 = arith.addi %mul3A_964, %add3A_965 : i32
    %dma_start3A_967 = tpu.memref_slice %arg6[%rem3A_0] : memref<2x!tpu.dma_semaphore, #tpu.memory_space<semaphore_mem>> -> memref<1x!tpu.dma_semaphore, #tpu.memory_space<semaphore_mem>>
    %dma_start3A_968 = tpu.memref_squeeze %dma_start3A_967 : memref<1x!tpu.dma_semaphore, #tpu.memory_space<semaphore_mem>> -> memref<!tpu.dma_semaphore, #tpu.memory_space<semaphore_mem>>
    %dma_start3A_969 = arith.constant 0 : i32
    %dma_start3A_970 = arith.constant 0 : i32
    %dma_start3A_971 = tpu.memref_slice %arg3[%add3A_966, %dma_start3A_969, %dma_start3A_970] : memref<4096x50x1024xf32, #tpu.memory_space<hbm>> -> memref<1x48x1024xf32, #tpu.memory_space<hbm>>
    %dma_start3A_972 = arith.constant 25 : i32
    %dma_start3A_973 = arith.constant 0 : i32
    %dma_start3A_974 = arith.constant 0 : i32
    %dma_start3A_975 = tpu.memref_slice %arg4[%rem3A_0, %dma_start3A_972, %dma_start3A_973, %dma_start3A_974] : memref<2x32x48x1024xf32, #tpu.memory_space<vmem>> -> memref<1x1x48x1024xf32, #tpu.memory_space<vmem>>
    %dma_start3A_976 = tpu.memref_squeeze %dma_start3A_975 : memref<1x1x48x1024xf32, #tpu.memory_space<vmem>> -> memref<1x48x1024xf32, #tpu.memory_space<vmem>>
    tpu.enqueue_dma source(%dma_start3A_976 : memref<1x48x1024xf32, #tpu.memory_space<vmem>>) target(%dma_start3A_971 : memref<1x48x1024xf32, #tpu.memory_space<hbm>>) target_semaphore(%dma_start3A_968 : memref<!tpu.dma_semaphore, #tpu.memory_space<semaphore_mem>>)
    %mul3A_977 = arith.constant 32 : i32
    %mul3A_978 = arith.muli %arg0, %mul3A_977 : i32
    %add3A_979 = arith.constant 26 : i32
    %add3A_980 = arith.addi %mul3A_978, %add3A_979 : i32
    %dma_start3A_981 = tpu.memref_slice %arg6[%rem3A_0] : memref<2x!tpu.dma_semaphore, #tpu.memory_space<semaphore_mem>> -> memref<1x!tpu.dma_semaphore, #tpu.memory_space<semaphore_mem>>
    %dma_start3A_982 = tpu.memref_squeeze %dma_start3A_981 : memref<1x!tpu.dma_semaphore, #tpu.memory_space<semaphore_mem>> -> memref<!tpu.dma_semaphore, #tpu.memory_space<semaphore_mem>>
    %dma_start3A_983 = arith.constant 0 : i32
    %dma_start3A_984 = arith.constant 0 : i32
    %dma_start3A_985 = tpu.memref_slice %arg3[%add3A_980, %dma_start3A_983, %dma_start3A_984] : memref<4096x50x1024xf32, #tpu.memory_space<hbm>> -> memref<1x48x1024xf32, #tpu.memory_space<hbm>>
    %dma_start3A_986 = arith.constant 26 : i32
    %dma_start3A_987 = arith.constant 0 : i32
    %dma_start3A_988 = arith.constant 0 : i32
    %dma_start3A_989 = tpu.memref_slice %arg4[%rem3A_0, %dma_start3A_986, %dma_start3A_987, %dma_start3A_988] : memref<2x32x48x1024xf32, #tpu.memory_space<vmem>> -> memref<1x1x48x1024xf32, #tpu.memory_space<vmem>>
    %dma_start3A_990 = tpu.memref_squeeze %dma_start3A_989 : memref<1x1x48x1024xf32, #tpu.memory_space<vmem>> -> memref<1x48x1024xf32, #tpu.memory_space<vmem>>
    tpu.enqueue_dma source(%dma_start3A_990 : memref<1x48x1024xf32, #tpu.memory_space<vmem>>) target(%dma_start3A_985 : memref<1x48x1024xf32, #tpu.memory_space<hbm>>) target_semaphore(%dma_start3A_982 : memref<!tpu.dma_semaphore, #tpu.memory_space<semaphore_mem>>)
    %mul3A_991 = arith.constant 32 : i32
    %mul3A_992 = arith.muli %arg0, %mul3A_991 : i32
    %add3A_993 = arith.constant 27 : i32
    %add3A_994 = arith.addi %mul3A_992, %add3A_993 : i32
    %dma_start3A_995 = tpu.memref_slice %arg6[%rem3A_0] : memref<2x!tpu.dma_semaphore, #tpu.memory_space<semaphore_mem>> -> memref<1x!tpu.dma_semaphore, #tpu.memory_space<semaphore_mem>>
    %dma_start3A_996 = tpu.memref_squeeze %dma_start3A_995 : memref<1x!tpu.dma_semaphore, #tpu.memory_space<semaphore_mem>> -> memref<!tpu.dma_semaphore, #tpu.memory_space<semaphore_mem>>
    %dma_start3A_997 = arith.constant 0 : i32
    %dma_start3A_998 = arith.constant 0 : i32
    %dma_start3A_999 = tpu.memref_slice %arg3[%add3A_994, %dma_start3A_997, %dma_start3A_998] : memref<4096x50x1024xf32, #tpu.memory_space<hbm>> -> memref<1x48x1024xf32, #tpu.memory_space<hbm>>
    %dma_start3A_1000 = arith.constant 27 : i32
    %dma_start3A_1001 = arith.constant 0 : i32
    %dma_start3A_1002 = arith.constant 0 : i32
    %dma_start3A_1003 = tpu.memref_slice %arg4[%rem3A_0, %dma_start3A_1000, %dma_start3A_1001, %dma_start3A_1002] : memref<2x32x48x1024xf32, #tpu.memory_space<vmem>> -> memref<1x1x48x1024xf32, #tpu.memory_space<vmem>>
    %dma_start3A_1004 = tpu.memref_squeeze %dma_start3A_1003 : memref<1x1x48x1024xf32, #tpu.memory_space<vmem>> -> memref<1x48x1024xf32, #tpu.memory_space<vmem>>
    tpu.enqueue_dma source(%dma_start3A_1004 : memref<1x48x1024xf32, #tpu.memory_space<vmem>>) target(%dma_start3A_999 : memref<1x48x1024xf32, #tpu.memory_space<hbm>>) target_semaphore(%dma_start3A_996 : memref<!tpu.dma_semaphore, #tpu.memory_space<semaphore_mem>>)
    %mul3A_1005 = arith.constant 32 : i32
    %mul3A_1006 = arith.muli %arg0, %mul3A_1005 : i32
    %add3A_1007 = arith.constant 28 : i32
    %add3A_1008 = arith.addi %mul3A_1006, %add3A_1007 : i32
    %dma_start3A_1009 = tpu.memref_slice %arg6[%rem3A_0] : memref<2x!tpu.dma_semaphore, #tpu.memory_space<semaphore_mem>> -> memref<1x!tpu.dma_semaphore, #tpu.memory_space<semaphore_mem>>
    %dma_start3A_1010 = tpu.memref_squeeze %dma_start3A_1009 : memref<1x!tpu.dma_semaphore, #tpu.memory_space<semaphore_mem>> -> memref<!tpu.dma_semaphore, #tpu.memory_space<semaphore_mem>>
    %dma_start3A_1011 = arith.constant 0 : i32
    %dma_start3A_1012 = arith.constant 0 : i32
    %dma_start3A_1013 = tpu.memref_slice %arg3[%add3A_1008, %dma_start3A_1011, %dma_start3A_1012] : memref<4096x50x1024xf32, #tpu.memory_space<hbm>> -> memref<1x48x1024xf32, #tpu.memory_space<hbm>>
    %dma_start3A_1014 = arith.constant 28 : i32
    %dma_start3A_1015 = arith.constant 0 : i32
    %dma_start3A_1016 = arith.constant 0 : i32
    %dma_start3A_1017 = tpu.memref_slice %arg4[%rem3A_0, %dma_start3A_1014, %dma_start3A_1015, %dma_start3A_1016] : memref<2x32x48x1024xf32, #tpu.memory_space<vmem>> -> memref<1x1x48x1024xf32, #tpu.memory_space<vmem>>
    %dma_start3A_1018 = tpu.memref_squeeze %dma_start3A_1017 : memref<1x1x48x1024xf32, #tpu.memory_space<vmem>> -> memref<1x48x1024xf32, #tpu.memory_space<vmem>>
    tpu.enqueue_dma source(%dma_start3A_1018 : memref<1x48x1024xf32, #tpu.memory_space<vmem>>) target(%dma_start3A_1013 : memref<1x48x1024xf32, #tpu.memory_space<hbm>>) target_semaphore(%dma_start3A_1010 : memref<!tpu.dma_semaphore, #tpu.memory_space<semaphore_mem>>)
    %mul3A_1019 = arith.constant 32 : i32
    %mul3A_1020 = arith.muli %arg0, %mul3A_1019 : i32
    %add3A_1021 = arith.constant 29 : i32
    %add3A_1022 = arith.addi %mul3A_1020, %add3A_1021 : i32
    %dma_start3A_1023 = tpu.memref_slice %arg6[%rem3A_0] : memref<2x!tpu.dma_semaphore, #tpu.memory_space<semaphore_mem>> -> memref<1x!tpu.dma_semaphore, #tpu.memory_space<semaphore_mem>>
    %dma_start3A_1024 = tpu.memref_squeeze %dma_start3A_1023 : memref<1x!tpu.dma_semaphore, #tpu.memory_space<semaphore_mem>> -> memref<!tpu.dma_semaphore, #tpu.memory_space<semaphore_mem>>
    %dma_start3A_1025 = arith.constant 0 : i32
    %dma_start3A_1026 = arith.constant 0 : i32
    %dma_start3A_1027 = tpu.memref_slice %arg3[%add3A_1022, %dma_start3A_1025, %dma_start3A_1026] : memref<4096x50x1024xf32, #tpu.memory_space<hbm>> -> memref<1x48x1024xf32, #tpu.memory_space<hbm>>
    %dma_start3A_1028 = arith.constant 29 : i32
    %dma_start3A_1029 = arith.constant 0 : i32
    %dma_start3A_1030 = arith.constant 0 : i32
    %dma_start3A_1031 = tpu.memref_slice %arg4[%rem3A_0, %dma_start3A_1028, %dma_start3A_1029, %dma_start3A_1030] : memref<2x32x48x1024xf32, #tpu.memory_space<vmem>> -> memref<1x1x48x1024xf32, #tpu.memory_space<vmem>>
    %dma_start3A_1032 = tpu.memref_squeeze %dma_start3A_1031 : memref<1x1x48x1024xf32, #tpu.memory_space<vmem>> -> memref<1x48x1024xf32, #tpu.memory_space<vmem>>
    tpu.enqueue_dma source(%dma_start3A_1032 : memref<1x48x1024xf32, #tpu.memory_space<vmem>>) target(%dma_start3A_1027 : memref<1x48x1024xf32, #tpu.memory_space<hbm>>) target_semaphore(%dma_start3A_1024 : memref<!tpu.dma_semaphore, #tpu.memory_space<semaphore_mem>>)
    %mul3A_1033 = arith.constant 32 : i32
    %mul3A_1034 = arith.muli %arg0, %mul3A_1033 : i32
    %add3A_1035 = arith.constant 30 : i32
    %add3A_1036 = arith.addi %mul3A_1034, %add3A_1035 : i32
    %dma_start3A_1037 = tpu.memref_slice %arg6[%rem3A_0] : memref<2x!tpu.dma_semaphore, #tpu.memory_space<semaphore_mem>> -> memref<1x!tpu.dma_semaphore, #tpu.memory_space<semaphore_mem>>
    %dma_start3A_1038 = tpu.memref_squeeze %dma_start3A_1037 : memref<1x!tpu.dma_semaphore, #tpu.memory_space<semaphore_mem>> -> memref<!tpu.dma_semaphore, #tpu.memory_space<semaphore_mem>>
    %dma_start3A_1039 = arith.constant 0 : i32
    %dma_start3A_1040 = arith.constant 0 : i32
    %dma_start3A_1041 = tpu.memref_slice %arg3[%add3A_1036, %dma_start3A_1039, %dma_start3A_1040] : memref<4096x50x1024xf32, #tpu.memory_space<hbm>> -> memref<1x48x1024xf32, #tpu.memory_space<hbm>>
    %dma_start3A_1042 = arith.constant 30 : i32
    %dma_start3A_1043 = arith.constant 0 : i32
    %dma_start3A_1044 = arith.constant 0 : i32
    %dma_start3A_1045 = tpu.memref_slice %arg4[%rem3A_0, %dma_start3A_1042, %dma_start3A_1043, %dma_start3A_1044] : memref<2x32x48x1024xf32, #tpu.memory_space<vmem>> -> memref<1x1x48x1024xf32, #tpu.memory_space<vmem>>
    %dma_start3A_1046 = tpu.memref_squeeze %dma_start3A_1045 : memref<1x1x48x1024xf32, #tpu.memory_space<vmem>> -> memref<1x48x1024xf32, #tpu.memory_space<vmem>>
    tpu.enqueue_dma source(%dma_start3A_1046 : memref<1x48x1024xf32, #tpu.memory_space<vmem>>) target(%dma_start3A_1041 : memref<1x48x1024xf32, #tpu.memory_space<hbm>>) target_semaphore(%dma_start3A_1038 : memref<!tpu.dma_semaphore, #tpu.memory_space<semaphore_mem>>)
    %mul3A_1047 = arith.constant 32 : i32
    %mul3A_1048 = arith.muli %arg0, %mul3A_1047 : i32
    %add3A_1049 = arith.constant 31 : i32
    %add3A_1050 = arith.addi %mul3A_1048, %add3A_1049 : i32
    %dma_start3A_1051 = tpu.memref_slice %arg6[%rem3A_0] : memref<2x!tpu.dma_semaphore, #tpu.memory_space<semaphore_mem>> -> memref<1x!tpu.dma_semaphore, #tpu.memory_space<semaphore_mem>>
    %dma_start3A_1052 = tpu.memref_squeeze %dma_start3A_1051 : memref<1x!tpu.dma_semaphore, #tpu.memory_space<semaphore_mem>> -> memref<!tpu.dma_semaphore, #tpu.memory_space<semaphore_mem>>
    %dma_start3A_1053 = arith.constant 0 : i32
    %dma_start3A_1054 = arith.constant 0 : i32
    %dma_start3A_1055 = tpu.memref_slice %arg3[%add3A_1050, %dma_start3A_1053, %dma_start3A_1054] : memref<4096x50x1024xf32, #tpu.memory_space<hbm>> -> memref<1x48x1024xf32, #tpu.memory_space<hbm>>
    %dma_start3A_1056 = arith.constant 31 : i32
    %dma_start3A_1057 = arith.constant 0 : i32
    %dma_start3A_1058 = arith.constant 0 : i32
    %dma_start3A_1059 = tpu.memref_slice %arg4[%rem3A_0, %dma_start3A_1056, %dma_start3A_1057, %dma_start3A_1058] : memref<2x32x48x1024xf32, #tpu.memory_space<vmem>> -> memref<1x1x48x1024xf32, #tpu.memory_space<vmem>>
    %dma_start3A_1060 = tpu.memref_squeeze %dma_start3A_1059 : memref<1x1x48x1024xf32, #tpu.memory_space<vmem>> -> memref<1x48x1024xf32, #tpu.memory_space<vmem>>
    tpu.enqueue_dma source(%dma_start3A_1060 : memref<1x48x1024xf32, #tpu.memory_space<vmem>>) target(%dma_start3A_1055 : memref<1x48x1024xf32, #tpu.memory_space<hbm>>) target_semaphore(%dma_start3A_1052 : memref<!tpu.dma_semaphore, #tpu.memory_space<semaphore_mem>>)
    %dma_start3A_1061 = tpu.memref_slice %arg7[%rem3A_0] : memref<2x!tpu.dma_semaphore, #tpu.memory_space<semaphore_mem>> -> memref<1x!tpu.dma_semaphore, #tpu.memory_space<semaphore_mem>>
    %dma_start3A_1062 = tpu.memref_squeeze %dma_start3A_1061 : memref<1x!tpu.dma_semaphore, #tpu.memory_space<semaphore_mem>> -> memref<!tpu.dma_semaphore, #tpu.memory_space<semaphore_mem>>
    %dma_start3A_1063 = arith.constant 0 : i32
    %dma_start3A_1064 = arith.constant 0 : i32
    %dma_start3A_1065 = tpu.memref_slice %arg3[%mul3A_614, %dma_start3A_1063, %dma_start3A_1064] : memref<4096x50x1024xf32, #tpu.memory_space<hbm>> -> memref<32x50x1024xf32, #tpu.memory_space<hbm>>
    %dma_start3A_1066 = arith.constant 0 : i32
    %dma_start3A_1067 = arith.constant 48 : i32
    %dma_start3A_1068 = arith.constant 0 : i32
    %dma_start3A_1069 = tpu.memref_slice %dma_start3A_1065[%dma_start3A_1066, %dma_start3A_1067, %dma_start3A_1068] : memref<32x50x1024xf32, #tpu.memory_space<hbm>> -> memref<32x2x1024xf32, #tpu.memory_space<hbm>>
    %dma_start3A_1070 = arith.constant 0 : i32
    %dma_start3A_1071 = arith.constant 0 : i32
    %dma_start3A_1072 = arith.constant 0 : i32
    %dma_start3A_1073 = tpu.memref_slice %arg5[%rem3A_0, %dma_start3A_1070, %dma_start3A_1071, %dma_start3A_1072] : memref<2x32x2x1024xf32, #tpu.memory_space<vmem>> -> memref<1x32x2x1024xf32, #tpu.memory_space<vmem>>
    %dma_start3A_1074 = tpu.memref_squeeze %dma_start3A_1073 : memref<1x32x2x1024xf32, #tpu.memory_space<vmem>> -> memref<32x2x1024xf32, #tpu.memory_space<vmem>>
    tpu.enqueue_dma source(%dma_start3A_1074 : memref<32x2x1024xf32, #tpu.memory_space<vmem>>) target(%dma_start3A_1069 : memref<32x2x1024xf32, #tpu.memory_space<hbm>>) target_semaphore(%dma_start3A_1062 : memref<!tpu.dma_semaphore, #tpu.memory_space<semaphore_mem>>)
    %eq3A = arith.constant 127 : i32
    %eq3A_1075 = arith.cmpi eq, %arg0, %eq3A : i32
    %convert_element_type3A_1076 = arith.extui %eq3A_1075 : i1 to i32
    %cond3A_1077 = arith.constant 0 : i32
    %cond3A_1078 = arith.cmpi ne, %convert_element_type3A_1076, %cond3A_1077 : i32
    scf.if %cond3A_1078 {
      %dma_wait3A = tpu.memref_slice %arg6[%rem3A_0] : memref<2x!tpu.dma_semaphore, #tpu.memory_space<semaphore_mem>> -> memref<1x!tpu.dma_semaphore, #tpu.memory_space<semaphore_mem>>
      %dma_wait3A_1079 = tpu.memref_squeeze %dma_wait3A : memref<1x!tpu.dma_semaphore, #tpu.memory_space<semaphore_mem>> -> memref<!tpu.dma_semaphore, #tpu.memory_space<semaphore_mem>>
      %dma_wait3A_1080 = arith.constant 0 : i32
      %dma_wait3A_1081 = arith.constant 0 : i32
      %dma_wait3A_1082 = arith.constant 0 : i32
      %dma_wait3A_1083 = tpu.memref_slice %arg3[%dma_wait3A_1080, %dma_wait3A_1081, %dma_wait3A_1082] : memref<4096x50x1024xf32, #tpu.memory_space<hbm>> -> memref<32x48x1024xf32, #tpu.memory_space<hbm>>
      %dma_wait3A_1084 = arith.constant 0 : i32
      %dma_wait3A_1085 = arith.constant 0 : i32
      %dma_wait3A_1086 = arith.constant 0 : i32
      %dma_wait3A_1087 = tpu.memref_slice %arg4[%rem3A_0, %dma_wait3A_1084, %dma_wait3A_1085, %dma_wait3A_1086] : memref<2x32x48x1024xf32, #tpu.memory_space<vmem>> -> memref<1x32x48x1024xf32, #tpu.memory_space<vmem>>
      %dma_wait3A_1088 = tpu.memref_squeeze %dma_wait3A_1087 : memref<1x32x48x1024xf32, #tpu.memory_space<vmem>> -> memref<32x48x1024xf32, #tpu.memory_space<vmem>>
      tpu.wait_dma2 semaphore(%dma_wait3A_1079 : memref<!tpu.dma_semaphore, #tpu.memory_space<semaphore_mem>>) src(%dma_wait3A_1088 : memref<32x48x1024xf32, #tpu.memory_space<vmem>>) dst(%dma_wait3A_1083 : memref<32x48x1024xf32, #tpu.memory_space<hbm>>)
      %dma_wait3A_1089 = tpu.memref_slice %arg7[%rem3A_0] : memref<2x!tpu.dma_semaphore, #tpu.memory_space<semaphore_mem>> -> memref<1x!tpu.dma_semaphore, #tpu.memory_space<semaphore_mem>>
      %dma_wait3A_1090 = tpu.memref_squeeze %dma_wait3A_1089 : memref<1x!tpu.dma_semaphore, #tpu.memory_space<semaphore_mem>> -> memref<!tpu.dma_semaphore, #tpu.memory_space<semaphore_mem>>
      %dma_wait3A_1091 = arith.constant 0 : i32
      %dma_wait3A_1092 = arith.constant 48 : i32
      %dma_wait3A_1093 = arith.constant 0 : i32
      %dma_wait3A_1094 = tpu.memref_slice %arg3[%dma_wait3A_1091, %dma_wait3A_1092, %dma_wait3A_1093] : memref<4096x50x1024xf32, #tpu.memory_space<hbm>> -> memref<32x2x1024xf32, #tpu.memory_space<hbm>>
      %dma_wait3A_1095 = arith.constant 0 : i32
      %dma_wait3A_1096 = arith.constant 0 : i32
      %dma_wait3A_1097 = arith.constant 0 : i32
      %dma_wait3A_1098 = tpu.memref_slice %arg5[%rem3A_0, %dma_wait3A_1095, %dma_wait3A_1096, %dma_wait3A_1097] : memref<2x32x2x1024xf32, #tpu.memory_space<vmem>> -> memref<1x32x2x1024xf32, #tpu.memory_space<vmem>>
      %dma_wait3A_1099 = tpu.memref_squeeze %dma_wait3A_1098 : memref<1x32x2x1024xf32, #tpu.memory_space<vmem>> -> memref<32x2x1024xf32, #tpu.memory_space<vmem>>
      tpu.wait_dma2 semaphore(%dma_wait3A_1090 : memref<!tpu.dma_semaphore, #tpu.memory_space<semaphore_mem>>) src(%dma_wait3A_1099 : memref<32x2x1024xf32, #tpu.memory_space<vmem>>) dst(%dma_wait3A_1094 : memref<32x2x1024xf32, #tpu.memory_space<hbm>>)
      %sub3A = arith.constant 1 : i32
      %sub3A_1100 = arith.subi %sub3A, %rem3A_0 : i32
      %dma_wait3A_1101 = tpu.memref_slice %arg6[%sub3A_1100] : memref<2x!tpu.dma_semaphore, #tpu.memory_space<semaphore_mem>> -> memref<1x!tpu.dma_semaphore, #tpu.memory_space<semaphore_mem>>
      %dma_wait3A_1102 = tpu.memref_squeeze %dma_wait3A_1101 : memref<1x!tpu.dma_semaphore, #tpu.memory_space<semaphore_mem>> -> memref<!tpu.dma_semaphore, #tpu.memory_space<semaphore_mem>>
      %dma_wait3A_1103 = arith.constant 0 : i32
      %dma_wait3A_1104 = arith.constant 0 : i32
      %dma_wait3A_1105 = arith.constant 0 : i32
      %dma_wait3A_1106 = tpu.memref_slice %arg3[%dma_wait3A_1103, %dma_wait3A_1104, %dma_wait3A_1105] : memref<4096x50x1024xf32, #tpu.memory_space<hbm>> -> memref<32x48x1024xf32, #tpu.memory_space<hbm>>
      %dma_wait3A_1107 = arith.constant 0 : i32
      %dma_wait3A_1108 = arith.constant 0 : i32
      %dma_wait3A_1109 = arith.constant 0 : i32
      %dma_wait3A_1110 = tpu.memref_slice %arg4[%sub3A_1100, %dma_wait3A_1107, %dma_wait3A_1108, %dma_wait3A_1109] : memref<2x32x48x1024xf32, #tpu.memory_space<vmem>> -> memref<1x32x48x1024xf32, #tpu.memory_space<vmem>>
      %dma_wait3A_1111 = tpu.memref_squeeze %dma_wait3A_1110 : memref<1x32x48x1024xf32, #tpu.memory_space<vmem>> -> memref<32x48x1024xf32, #tpu.memory_space<vmem>>
      tpu.wait_dma2 semaphore(%dma_wait3A_1102 : memref<!tpu.dma_semaphore, #tpu.memory_space<semaphore_mem>>) src(%dma_wait3A_1111 : memref<32x48x1024xf32, #tpu.memory_space<vmem>>) dst(%dma_wait3A_1106 : memref<32x48x1024xf32, #tpu.memory_space<hbm>>)
      %dma_wait3A_1112 = tpu.memref_slice %arg7[%sub3A_1100] : memref<2x!tpu.dma_semaphore, #tpu.memory_space<semaphore_mem>> -> memref<1x!tpu.dma_semaphore, #tpu.memory_space<semaphore_mem>>
      %dma_wait3A_1113 = tpu.memref_squeeze %dma_wait3A_1112 : memref<1x!tpu.dma_semaphore, #tpu.memory_space<semaphore_mem>> -> memref<!tpu.dma_semaphore, #tpu.memory_space<semaphore_mem>>
      %dma_wait3A_1114 = arith.constant 0 : i32
      %dma_wait3A_1115 = arith.constant 48 : i32
      %dma_wait3A_1116 = arith.constant 0 : i32
      %dma_wait3A_1117 = tpu.memref_slice %arg3[%dma_wait3A_1114, %dma_wait3A_1115, %dma_wait3A_1116] : memref<4096x50x1024xf32, #tpu.memory_space<hbm>> -> memref<32x2x1024xf32, #tpu.memory_space<hbm>>
      %dma_wait3A_1118 = arith.constant 0 : i32
      %dma_wait3A_1119 = arith.constant 0 : i32
      %dma_wait3A_1120 = arith.constant 0 : i32
      %dma_wait3A_1121 = tpu.memref_slice %arg5[%sub3A_1100, %dma_wait3A_1118, %dma_wait3A_1119, %dma_wait3A_1120] : memref<2x32x2x1024xf32, #tpu.memory_space<vmem>> -> memref<1x32x2x1024xf32, #tpu.memory_space<vmem>>
      %dma_wait3A_1122 = tpu.memref_squeeze %dma_wait3A_1121 : memref<1x32x2x1024xf32, #tpu.memory_space<vmem>> -> memref<32x2x1024xf32, #tpu.memory_space<vmem>>
      tpu.wait_dma2 semaphore(%dma_wait3A_1113 : memref<!tpu.dma_semaphore, #tpu.memory_space<semaphore_mem>>) src(%dma_wait3A_1122 : memref<32x2x1024xf32, #tpu.memory_space<vmem>>) dst(%dma_wait3A_1117 : memref<32x2x1024xf32, #tpu.memory_space<hbm>>)
    } else {
    }
    return
  }
  func.func @transform_0(%arg0: i32) -> (i32, i32) {
    %c0_i32 = arith.constant 0 : i32
    %c0_i32_0 = arith.constant 0 : i32
    return %arg0, %c0_i32 : i32, i32
  }
  func.func @transform_1(%arg0: i32) -> (i32, i32) {
    %c0_i32 = arith.constant 0 : i32
    %c0_i32_0 = arith.constant 0 : i32
    %c0_i32_1 = arith.constant 0 : i32
    return %c0_i32, %c0_i32_0 : i32, i32
  }
}

</mosaic_0001>

<sc_bundles>
// kernel: kernel.4.cloned.1.call-start
scs
__scs_entry_jumppad:
0x0: {  	(pc) =	sbr.rel $0x88, $3  }
0x1: {  	(tag) =	ssettag $0x0;
	lr =	simm.s32 $0x1  }
0x2: {  	[smem:$0x3F9E] =	sst lr;
	_ =	strace $0xD0000000  }
0x3: {  	_ = 	snop  }
0x4: {  	_ = 	snop  }
0x5: {  	_ = 	snop  }
0x6: {  	_ = 	snop  }
0x7: {  	_ = 	snop  }
__scs_overlays_trampoline_lowered:
0x8: {  	[smem:$0x3FAD] =	sst s0  }
0x9: {  	[smem:$0x3FAE] =	sst s1  }
0xa: {  	[smem:$0x3FAF] =	sst s2  }
0xb: {  	[smem:$0x3FB0] =	sst s3  }
0xc: {  	[smem:$0x3FB1] =	sst s4  }
0xd: {  	[smem:$0x3FB2] =	sst s5  }
0xe: {  	[smem:$0x3FB3] =	sst s6  }
0xf: {  	[smem:$0x3FB4] =	sst s7  }
0x10: {  	[smem:$0x3FB5] =	sst s8  }
0x11: {  	[smem:$0x3FB6] =	sst s9;
	s0 =	simm.s32 @!p0 $0x0  }
0x12: {  	s1 =	sld [smem:$0x3F9C];
	s0 =	simm.s32 @p0 $0x1  }
0x13: {  	[smem:$0x3FB7] =	sst s0;
	s0 =	simm.s32 @!p1 $0x0  }
0x14: {  	s2 =	sld [smem:$0x3F9B];
	s0 =	simm.s32 @p1 $0x1  }
0x15: {  	[smem:$0x3FB8] =	sst s0;
	s0 =	simm.s32 @!p2 $0x0  }
0x16: {  	s3 =	sld [smem:$0x3FDB];
	s0 =	simm.s32 @p2 $0x1  }
0x17: {  	s4 =	simm.s32 $0x1BF5;
	[smem:$0x3FBA] =	sst s0  }
0x18: {  	s0 =	sld [smem:$0x3F9D];
	_ =	swait.ge [sflag:s4], $0x0  }
0x19: {  	s7 =	sld [smem:$0x3F9E]  }
0x1a: {  	s8 =	sadd.s32 $0xFFFFE003, lr  }
0x1b: {  	s9 =	sadd.s32 $0xFFFFFEF7, lr;
	s5 =	simm.s32 $0xFFFFFFFF;
	p2 =	slt.u32 s8, $0xFFFFF086  }
0x1c: {  	p1 =	slt.u32 s9, $0xF7A;
	s5 =	simm.s32 @!p2 $0x0  }
0x1d: {  	s5 =	simm.s32 @p1 $0x1;
	p0 =	seq.s32 s7, s2  }
0x1e: {  	s7 =	smul.u32 @!p0 $0xF7A, s2;
	p2 =	seq.s32 @!p0 s5, $0x0  }
0x1f: {  	s9 =	smul.u32 $0xF7A, s1;
	s8 =	simm.s32 @!p0 $0x1BF5;
	p2 =	por !p2, p0  }
0x20: {  	[sflag:s8] =	ssyncset.s32 @!p0 $0xFFFFF086;
	s6 =	sadd.s32 @!p0 s3, s7;
	s7 =	simm.s32 @!p0 $0x108  }
0x21: {  	s3 =	sadd.s32 s3, s9;
	s6 =	sadd.s32 @!p0 $0x88, s6;
	s7 =	simm.s32 @p2 $0x1082  }
0x22: {  	[simem:s7], [sflag:s8] =	dma.local @!p0 [hbm:s6], $0xF7A  }
0x23: {  	s9 =	sor.u32 $0xD0000000, s2;
	s6 =	simm.s32 $0x108;
	_ =	swait.ge @!p0 [sflag:s8], $0x0  }
0x24: {  	s3 =	sadd.s32 $0x88, s3;
	s6 =	simm.s32 @!p1 $0x1082;
	[sflag:s4] =	ssyncset.s32 $0xFFFFF086  }
0x25: {  	[simem:s6], [sflag:s4] =	dma.local [hbm:s3], $0xF7A  }
0x26: {  	[smem:$0x3F9E] =	sst s1;
	(tag) =	ssettag s2;
	_ =	strace s9  }
0x27: {  	s1 =	sld [smem:$0x3FAE]  }
0x28: {  	s2 =	sld [smem:$0x3FAF]  }
0x29: {  	s4 =	sld [smem:$0x3FB1]  }
0x2a: {  	p0 =	seq.s32 s5, $0x0;
	s5 =	sld [smem:$0x3FB2]  }
0x2b: {  	s6 =	sld [smem:$0x3FB3]  }
0x2c: {  	s7 =	sld [smem:$0x3FB4]  }
0x2d: {  	s3 =	simm.s32 $0x108;
	s8 =	sld [smem:$0x3FB5]  }
0x2e: {  	s3 =	simm.s32 @!p0 $0x1082;
	s9 =	sld [smem:$0x3FB6]  }
0x2f: {  	lr =	sadd.s32 s0, s3;
	s0 =	sld [smem:$0x3FAD]  }
0x30: {  	s3 =	sld [smem:$0x3FB0]  }
0x31: {  	[smem:$0x3FB9] =	sst s10  }
0x32: {  	s10 =	sld [smem:$0x3FB7];
	_ =	sdelay $0x3  }
0x33: {  	p0 =	seq.s32 s10, $0x1;
	s10 =	sld [smem:$0x3FB9];
	_ =	sdelay $0x3  }
0x34: {  	[smem:$0x3FB9] =	sst s10  }
0x35: {  	s10 =	sld [smem:$0x3FB8];
	_ =	sdelay $0x3  }
0x36: {  	p1 =	seq.s32 s10, $0x1;
	s10 =	sld [smem:$0x3FB9];
	_ =	sdelay $0x3  }
0x37: {  	[smem:$0x3FB9] =	sst s10  }
0x38: {  	s10 =	sld [smem:$0x3FBA]  }
0x39: {  	_ = 	snop;
	(pc) =	sbr.ind lr, $3  }
0x3a: {  	_ = 	snop  }
0x3b: {  	_ = 	snop  }
0x3c: {  	p2 =	seq.s32 s10, $0x1;
	s10 =	sld [smem:$0x3FB9]  }
0x3d: {  	_ =	shalt  }
0x3e: {  	_ =	shalt  }
0x3f: {  	_ =	shalt  }
0x40: {  	_ =	shalt  }
0x41: {  	_ =	shalt  }
0x42: {  	_ =	shalt  }
0x43: {  	_ =	shalt  }
0x44: {  	_ =	shalt  }
0x45: {  	_ =	shalt  }
0x46: {  	_ =	shalt  }
0x47: {  	_ =	shalt  }
0x48: {  	_ =	shalt  }
0x49: {  	_ =	shalt  }
0x4a: {  	_ =	shalt  }
0x4b: {  	_ =	shalt  }
0x4c: {  	_ =	shalt  }
0x4d: {  	_ =	shalt  }
0x4e: {  	_ =	shalt  }
0x4f: {  	_ =	shalt  }
0x50: {  	_ =	shalt  }
0x51: {  	_ =	shalt  }
0x52: {  	_ =	shalt  }
0x53: {  	_ =	shalt  }
0x54: {  	_ =	shalt  }
0x55: {  	_ =	shalt  }
0x56: {  	_ =	shalt  }
0x57: {  	_ =	shalt  }
0x58: {  	_ =	shalt  }
0x59: {  	_ =	shalt  }
0x5a: {  	_ =	shalt  }
0x5b: {  	_ =	shalt  }
0x5c: {  	_ =	shalt  }
0x5d: {  	_ =	shalt  }
0x5e: {  	_ =	shalt  }
0x5f: {  	_ =	shalt  }
0x60: {  	_ =	shalt  }
0x61: {  	_ =	shalt  }
0x62: {  	_ =	shalt  }
0x63: {  	_ =	shalt  }
0x64: {  	_ =	shalt  }
0x65: {  	_ =	shalt  }
0x66: {  	_ =	shalt  }
0x67: {  	_ =	shalt  }
0x68: {  	_ =	shalt  }
0x69: {  	_ =	shalt  }
0x6a: {  	_ =	shalt  }
0x6b: {  	_ =	shalt  }
0x6c: {  	_ =	shalt  }
0x6d: {  	_ =	shalt  }
0x6e: {  	_ =	shalt  }
0x6f: {  	_ =	shalt  }
0x70: {  	_ =	shalt  }
0x71: {  	_ =	shalt  }
0x72: {  	_ =	shalt  }
0x73: {  	_ =	shalt  }
0x74: {  	_ =	shalt  }
0x75: {  	_ =	shalt  }
0x76: {  	_ =	shalt  }
0x77: {  	_ =	shalt  }
0x78: {  	_ =	shalt  }
0x79: {  	_ =	shalt  }
0x7a: {  	_ =	shalt  }
0x7b: {  	_ =	shalt  }
0x7c: {  	_ =	shalt  }
0x7d: {  	_ =	shalt  }
0x7e: {  	_ =	shalt  }
0x7f: {  	_ =	shalt  }
0x80: {  	_ =	shalt  }
0x81: {  	_ =	shalt  }
0x82: {  	_ =	shalt  }
0x83: {  	_ =	shalt  }
0x84: {  	_ =	shalt  }
0x85: {  	_ =	shalt  }
0x86: {  	_ =	shalt  }
0x87: {  	_ =	shalt  }
.Lfunc_end0:
.L_simem_size_0:
called_computation_lowered:
.L_overlay_start_0:
0x88: {  	s2 =	sld [smem:$0x3FD9]  }
0x89: {  	s3 =	sld [smem:$0x3FFE];
	_ =	sdelay $0x1  }
0x8a: {  	s1 =	srdreg.scid  }
0x8b: {  	s0 =	sand.u32 $0x1, s1  }
0x8c: {  	s17 =	sshll.u32 s0, $0xA;
	s2 =	sadd.s32 s3, s2  }
0x8d: {  	s2 =	sadd.s32 s2, s17  }
0x8e: {  	[smem:$0x3FC5] =	sst s2  }
0x8f: {  	_ = 	snop  }
0x90: {  	s2 =	sld [smem:$0x3FC8]  }
0x91: {  	s18 =	sld [smem:$0x3FD0];
	(tm) =	ssettm $0x1  }
0x92: {  	s4 =	sld [smem:$0x3FFB];
	_ =	sdelay $0x3  }
0x93: {  	_ =	strace s4  }
0x94: {  	s4 =	sld [smem:$0x3FFC];
	_ =	sdelay $0x3  }
0x95: {  	_ =	strace s4  }
0x96: {  	s4 =	sld [smem:$0x3FFD];
	_ =	sdelay $0x3  }
0x97: {  	_ =	strace s4  }
0x98: {  	_ =	strace $0x8FFFFFFF  }
0x99: {  	s19 =	sld [smem:$0x3FDB];
	_ =	sdelay $0x1  }
0x9a: {  	s5 =	simm.s32 $_scs_section_size  }
0x9b: {  	s6 =	simm.s32 $_size__tile_overlayer_lowered;
	s7 =	simm.s32 $_tile_overlayer_lowered  }
0x9c: {  	s22 =	simm.s32 $0x1BFF;
	s21 =	sshll.u32 s7, $0x1;
	s4 =	sadd.s32 s5, s19  }
0x9d: {  	s8 =	simm.s32 $0x0;
	s20 =	sshll.u32 s6, $0x1;
	s6 =	sadd.s32 s21, s4  }
0x9e: {  	[timem:s8], [sflag:s22] =	dma.local [hbm:s6], s20  }
0x9f: {  	_ =	swait.ge [sflag:s22], s20  }
0xa0: {  	s5 =	ssub.s32 $0x0, s20;
	[sflag:s22] =	ssyncset.done $0x0  }
0xa1: {  	[sflag:s22] =	ssyncadd.s32 s5;
	_ =	sdelay $0x1  }
0xa2: {  	s23 =	simm.s32 $0x1B8B  }
0xa3: {  	_ =	swait.ge [sflag:s23], $0x1  }
0xa4: {  	[sflag:s23] =	ssyncset.done $0x0  }
0xa5: {  	s25 =	simm.s32 $0x1B8E;
	s24 =	sld [smem:$0x3FFE];
	[sflag:s23] =	ssyncadd.s32 $0xFFFFFFFF  }
0xa6: {  	s26 =	simm.s32 $execute0_lowered;
	[smem:$0x3FD2] =	sst s25  }
0xa7: {  	s6 =	sshll.u32 s26, $0x1;
	_ =	strace $0x80000046;
	[dreg:$0x1] =	wrdreg $0xFFFFFFFF  }
0xa8: {  	s28 =	simm.s32 $_size_execute0_lowered;
	s4 =	sadd.s32 s4, s6;
	[dreg:$0x0] =	wrdreg $0x0  }
0xa9: {  	s6 =	sshll.u32 s28, $0x1;
	[dreg:$0x2] =	wrdreg s4  }
0xaa: {  	[dreg:$0x3] =	wrdreg s6  }
0xab: {  	[dreg:$0x4] =	wrdreg $0xC0  }
0xac: {  	_ =	task [dreg:s8], $0x5FFFF  }
0xad: {  	[dreg:$0x1] =	wrdreg $0xFFFFFFFF  }
0xae: {  	[dreg:$0x0] =	wrdreg $0x60  }
0xaf: {  	[dreg:$0x2] =	wrdreg s2  }
0xb0: {  	[dreg:$0x3] =	wrdreg s24  }
0xb1: {  	[dreg:$0x4] =	wrdreg s18  }
0xb2: {  	[dreg:$0x5] =	wrdreg $0x9  }
0xb3: {  	_ =	task.clear_ibuf [dreg:s8], $0x6FFFF;
	_ =	strace $0x90000046  }
0xb4: {  	s29 =	simm.s32 $0x9;
	_ =	strace $0x80000048  }
0xb5: {  	_ =	swait.ge [sflag:s29], $0x1  }
0xb6: {  	[sflag:s29] =	ssyncadd.s32 $0xFFFFFFFF  }
0xb7: {  	_ =	strace $0x90000048  }
0xb8: {  	_ =	sfence  }
0xb9: {  	s30 =	sld [smem:$0x0];
	_ =	sdelay $0x2  }
0xba: {  	s31 =	sshll.u32 s1, $0xD;
	s1 =	sshrl.u32 s1, $0x2  }
0xbb: {  	s3 =	sand.u32 $0x4000, s31;
	s1 =	sadd.s32 s1, s30  }
0xbc: {  	s0 =	sor.u32 s3, s0;
	s1 =	sshll.u32 s1, $0x11  }
0xbd: {  	s0 =	sor.u32 s1, s0  }
0xbe: {  	s0 =	sadd.s32 $0x8F2B, s0  }
0xbf: {  	[sflag:s0] =	ssyncadd.remote.s32 $0x1  }
0xc0: {  	_ =	sfence.sel $0xFFFF  }
0xc1: {  	[dreg:$0x0] =	wrdreg $0xFFFFFFFF;
	(pc) =	sbr.abs _section_cstart, $3  }
0xc2: {  	[dreg:$0x1] =	wrdreg $0xFFFFFFFF  }
0xc3: {  	_ =	task.clear_ibuf [dreg:s8], $0x2FFFF;
	_ =	strace $0x9FFFFFFF  }
0xc4: {  	(tm) =	ssettm $0x7FFFFFFF  }
0xc5: {  	_ =	shalt  }
tec
execute0_lowered:
.L_overlay_start_1:
0x0: {  	(tag) =	ssettag $0x1  }
0x1: {  	s1 =	rddreg [dreg:$0x0]  }
0x2: {  	s4 =	rddreg [dreg:$0x1]  }
0x3: {  	s2 =	srdreg.scid;
	s0 =	stileid.u32  }
0x4: {  	s6 =	rddreg [dreg:$0x2];
	s3 =	simm.s32 $0x0;
	s11 =	simm.s32 $0x0  }
0x5: {  	s5 =	sand.u32 $0x1, s2;
	s7 =	sshll.u32 s0, $0x1;
	s2 =	rddreg [dreg:$0x3]  }
0x6: {  	[smem:$0x7FF] =	sst s3;
	s10 =	smul.u32 $0x32000, s0;
	s7 =	sor.u32 s5, s7  }
0x7: {  	s8 =	ssub.s32 $0x2, s5;
	_ =	strace $0x80000047;
	s31 =	smul.u32 $0x19000, s5  }
0x8: {  	s7 =	smul.u32 $0x380, s7;
	s9 =	sshrl.u32 s8, $0x1;
	s6 =	sadd.s32 s10, s6  }
0x9: {  	s10 =	simm.s32 $0x1;
	s30 =	ssub.s32 s8, s9;
	s6 =	sadd.s32 s31, s6  }
0xa: {  	s8 =	simm.s32 $0x80;
	s9 =	simm.s32 $0x1C00;
	s4 =	sadd.s32 s7, s4  }
0xb: {  	s5 =	smax.u32 s30, $0x1;
	s7 =	simm.s32 $0x2;
	s4 =	sadd.s32 $0x600, s4  }
.LBB2_1:
0xc: {  	[tilespmem:s3], [sflag:$0x2] =	stream.linear.gather [hbm4b:s4+s3], $0x1900, $0x38;
	[tilespmem:$0x5C00] =	vst v63  }
0xd: {  	_ =	swait.ge [sflag:s7], $0x1900  }
0xe: {  	[sflag:s7] =	ssyncset.done $0x0  }
0xf: {  	s12 =	simm.s32 $0x0;
	[sflag:s7] =	ssyncadd.s32 $0xFFFFE700  }
0x10: {  	[tilespmem:s9], [sflag:$0x1] =	stream.indirect.gather [hbm4b:s1+s8], $0x80, s12, s8, $0xb8;
	[tilespmem:$0x5C00] =	vst v63  }
0x11: {  	_ =	swait.ge [sflag:s10], $0x4000  }
0x12: {  	[sflag:s10] =	ssyncset.done $0x0  }
0x13: {  	[sflag:s10] =	ssyncadd.s32 $0xFFFFC000  }
0x14: {  	[hbm4b:s6+s3] =	stream.linear.scatter [tilespmem:s9], [sflag:$0x2], $0x4000, $0x38;
	[tilespmem:$0x5C00] =	vst v63  }
0x15: {  	s13 =	simm.s32 $0x200;
	_ =	swait.ge [sflag:s7], $0x4000  }
0x16: {  	s14 =	simm.s32 $0x400;
	s12 =	sadd.s32 $0x800, s6;
	[sflag:s7] =	ssyncset.done $0x0  }
.LBB2_2:
0x17: {  	s15 =	sshra.s32 s13, $0x2  }
0x18: {  	[sflag:s7] =	ssyncadd.s32 $0xFFFFC000;
	s13 =	smov.u32 s14;
	s16 =	sadd.s32 $0x200, s14  }
0x19: {  	[tilespmem:s9], [sflag:$0x1] =	stream.indirect.gather [hbm4b:s1+s8], $0x80, s15, s8, $0xb8;
	[tilespmem:$0x5C00] =	vst v63  }
0x1a: {  	p0 =	sne.s32 s14, $0x6200;
	_ =	swait.ge [sflag:s10], $0x4000  }
.Ltmp0:
0x1b: {  	[sflag:s10] =	ssyncset.done $0x0;
	(pc) =	sbr.rel @p0 .LBB2_2-.Ltmp0, $4  }
0x1c: {  	[sflag:s10] =	ssyncadd.s32 $0xFFFFC000  }
0x1d: {  	[hbm4b:s12+s3] =	stream.linear.scatter [tilespmem:s9], [sflag:$0x2], $0x4000, $0x38;
	[tilespmem:$0x5C00] =	vst v63  }
0x1e: {  	_ =	swait.ge [sflag:s7], $0x4000  }
0x1f: {  	s14 =	smov.u32 s16;
	s12 =	sadd.s32 $0x800, s12;
	[sflag:s7] =	ssyncset.done $0x0  }
0x20: {  	s13 =	sshra.s32 s13, $0x2;
	[sflag:s7] =	ssyncadd.s32 $0xFFFFC000  }
0x21: {  	[tilespmem:s9], [sflag:$0x1] =	stream.indirect.gather [hbm4b:s1+s8], $0x80, s13, s8, $0xb8;
	[tilespmem:$0x5C00] =	vst v63  }
0x22: {  	s11 =	sadd.s32 $0x1, s11;
	_ =	swait.ge [sflag:s10], $0x4000  }
0x23: {  	p0 =	sne.s32 s11, s5;
	[sflag:s10] =	ssyncset.done $0x0  }
.Ltmp1:
0x24: {  	[sflag:s10] =	ssyncadd.s32 $0xFFFFC000;
	(pc) =	sbr.rel @p0 .LBB2_1-.Ltmp1, $4  }
0x25: {  	[hbm4b:s12+s3] =	stream.linear.scatter [tilespmem:s9], [sflag:$0x2], $0x4000, $0x38;
	[tilespmem:$0x5C00] =	vst v63  }
0x26: {  	_ =	swait.ge [sflag:s7], $0x4000  }
0x27: {  	[sflag:s7] =	ssyncset.done $0x0  }
0x28: {  	[sflag:s7] =	ssyncadd.s32 $0xFFFFC000  }
0x29: {  	_ =	sfence.sel $0x180000  }
0x2a: {  	[bflag:$0x0] =	sbarrier.arrive $0xFFFF  }
0x2b: {  	p0 =	sne.s32 s0, $0x0;
	_ =	strace $0x90000047  }
0x2c: {  	s0 =	sadd.s32 @!p0 $0x100000, s2;
	[bflag:$0x2] =	sbarrier.arrive $0xFFFF  }
0x2d: {  	[sflag:s0] =	ssyncadd.tile.s32 @!p0 $0x1;
	_ =	shalt  }
.Lfunc_end2:
_tile_overlayer_lowered:
.L_overlay_start_2:
0x2e: {  	(tag) =	ssettag $0x2  }
0x2f: {  	s0 =	rddreg [dreg:$0x0];
	s2 =	stileid.u32  }
0x30: {  	s1 =	rddreg [dreg:$0x1];
	p0 =	sne.s32 s2, $0x0  }
0x31: {  	s3 =	rddreg [dreg:$0x2];
	[bflag:$0x3] =	sbarrier.arrive $0xFFFF;
	s2 =	simm.s32 @!p0 $0x1C02  }
0x32: {  	[timem:s3], [sflag:s2] =	dma.local @!p0 [hbm:s0], s1  }
0x33: {  	s0 =	simm.s32 @!p0 $0x2  }
0x34: {  	_ =	swait.ge @!p0 [sflag:s0], s1  }
0x35: {  	s1 =	ssub.s32 @!p0 $0x0, s1;
	[sflag:s0] =	ssyncset.done @!p0 $0x0  }
0x36: {  	[sflag:s0] =	ssyncadd.s32 @!p0 s1  }
0x37: {  	[bflag:$0x3] =	sbarrier.arrive $0xFFFF  }
0x38: {  	_ =	shalt  }

</sc_bundles>
